<compile_context>
chip_gen: v7x
topology: tpu7x:2x2x1
jax: 0.10.2.dev20260603
libtpu: 0.0.44.dev20260713+nightly
codegen_flags: <defaults>
</compile_context>

<pallas_src>
import functools

import numpy as np
import jax
import jax.numpy as jnp
from jax import lax
from jax.experimental import pallas as pl
from jax.experimental.pallas import tpu as pltpu
from jax.experimental.pallas import tpu_sc as plsc

_EMB = 128
_B, _S = 1024, 200
_NCHUNK = 2
_CS = _S // _NCHUNK
_NC, _NS = 2, 16
_NW = _NC * _NS
_ROWS_PER_W = _B // _NW
_GROUP = 4


@functools.cache
def _enc_table():
    pos = np.arange(1, _S + 1, dtype=np.float64)[:, None]
    j = np.arange(_EMB, dtype=np.float64)[None, :]
    pe = pos / np.power(10000.0, 2.0 * (np.floor(j / 2.0)) / _EMB)
    pe[1:, 0::2] = np.sin(pe[1:, 0::2])
    pe[1:, 1::2] = np.cos(pe[1:, 1::2])
    return jnp.asarray(pe.astype(np.float32)).reshape(_NCHUNK, _CS, _EMB)


def _sc_scatter(enc, sol, best):
    mesh = plsc.VectorSubcoreMesh(core_axis_name="c", subcore_axis_name="s")

    @functools.partial(
        pl.kernel,
        mesh=mesh,
        out_type=(
            jax.ShapeDtypeStruct((_B, _S, _EMB), jnp.float32),
            jax.ShapeDtypeStruct((_B, _S, _EMB), jnp.float32),
        ),
        scratch_types=[
            pltpu.VMEM((_NCHUNK, _CS, _EMB), jnp.float32),
            pltpu.VMEM((_ROWS_PER_W, _NCHUNK, _CS), jnp.int32),
            pltpu.VMEM((_ROWS_PER_W, _NCHUNK, _CS), jnp.int32),
            pltpu.SemaphoreType.DMA,
        ],
    )
    def k(enc_hbm, sol_hbm, best_hbm, out_hbm, bout_hbm, enc_v, sidx_v, bidx_v, sem):
        wid = lax.axis_index("s") * _NC + lax.axis_index("c")
        base = wid * _ROWS_PER_W
        lds = [
            pltpu.async_copy(enc_hbm, enc_v, sem),
            pltpu.async_copy(sol_hbm.at[pl.ds(base, _ROWS_PER_W)], sidx_v, sem),
            pltpu.async_copy(best_hbm.at[pl.ds(base, _ROWS_PER_W)], bidx_v, sem),
        ]
        for ld in lds:
            ld.wait()

        def group(g, carry):
            r0 = g * _GROUP
            cps = []
            for dr in range(_GROUP):
                r = r0 + dr
                for c in range(_NCHUNK):
                    cps.append(pltpu.async_copy(
                        enc_v.at[c], out_hbm.at[base + r].at[sidx_v.at[r, c]], sem))
                    cps.append(pltpu.async_copy(
                        enc_v.at[c], bout_hbm.at[base + r].at[bidx_v.at[r, c]], sem))
            for cp in cps:
                cp.wait()
            return carry

        lax.fori_loop(0, _ROWS_PER_W // _GROUP, group, 0)

    return k(enc, sol, best)


def kernel(x, solutions, best_solutions):
    del x
    sol = solutions.astype(jnp.int32).reshape(_B, _NCHUNK, _CS)
    best = best_solutions.astype(jnp.int32).reshape(_B, _NCHUNK, _CS)
    return _sc_scatter(_enc_table(), sol, best)

# --- scband reference (transcript-rebuilt; emitter-appended) ---
"""Pipeline reference for scband-embedding-net-pos-6511170421156 (READ-ONLY COPY).

The authoritative reference and input builder live on the scoring server;
editing this copy changes nothing except your own understanding.
"""

import jax, jax.numpy as jnp
import numpy as np

EMB = 128

def position_encoding_init(n_position, emb_dim):
    pos = np.arange(1, n_position + 1, dtype=np.float64)[:, None]
    j = np.arange(emb_dim, dtype=np.float64)[None, :]
    pe = pos / np.power(10000.0, 2.0 * (np.floor(j / 2.0)) / emb_dim)
    pe[1:, 0::2] = np.sin(pe[1:, 0::2])
    pe[1:, 1::2] = np.cos(pe[1:, 1::2])
    return jnp.asarray(pe.astype(np.float32))

def setup_inputs(seed: int = 0) -> dict:
    key = jax.random.key(seed)
    k1, k2, k3 = jax.random.split(key, 3)
    B, S = 1024, 200
    x = jax.random.normal(k1, (B, S, 2), dtype=jnp.float32)
    # solutions/best_solutions must be per-row permutations of 0..S-1
    solutions = jnp.argsort(jax.random.uniform(k2, (B, S)), axis=1).astype(jnp.int64)
    best_solutions = jnp.argsort(jax.random.uniform(k3, (B, S)), axis=1).astype(jnp.int64)
    return {"x": x, "solutions": solutions, "best_solutions": best_solutions}

def reference(x, solutions, best_solutions):
    B, S = solutions.shape
    enc = position_encoding_init(S, EMB)  # [S, EMB]
    # torch: for each value i, find its position in each row, stack -> visited_time[b, i] = pos of i in row b
    # for permutations this is exactly argsort along axis 1
    visited_time = jnp.argsort(solutions, axis=1)          # [B, S]
    best_visited_time = jnp.argsort(best_solutions, axis=1)  # [B, S]
    pos_enc = jnp.take(enc, visited_time, axis=0)           # [B, S, EMB]
    best_pos_enc = jnp.take(enc, best_visited_time, axis=0) # [B, S, EMB]
    return (pos_enc, best_pos_enc)

if __name__ == "__main__":
    import jax
    _d = setup_inputs()
    print(jax.jit(kernel)(*tuple(_d.values())))

</pallas_src>

<mosaic_0001>
#map = affine_map<(d0, d1) -> (0, 0, 0)>
module attributes {stable_mosaic.version = 14 : i64} {
  func.func @k(%arg0: i32, %arg1: i32, %arg2: memref<2x100x128xf32, #tpu.memory_space<hbm>>, %arg3: memref<1024x2x100xi32, #tpu.memory_space<hbm>>, %arg4: memref<1024x2x100xi32, #tpu.memory_space<hbm>>, %arg5: memref<1024x200x128xf32, #tpu.memory_space<hbm>>, %arg6: memref<1024x200x128xf32, #tpu.memory_space<hbm>>, %arg7: memref<2x100x128xf32, #tpu.memory_space<vmem>>, %arg8: memref<32x2x100xi32, #tpu.memory_space<vmem>>, %arg9: memref<32x2x100xi32, #tpu.memory_space<vmem>>, %arg10: memref<!tpu.dma_semaphore, #tpu.memory_space<semaphore_mem>>) attributes {dimension_semantics = [#tpu.dimension_semantics<core_parallel>, #tpu.dimension_semantics<subcore_parallel>], iteration_bounds = array<i64: 2, 16>, scalar_prefetch = 0 : i64, scratch_operands = 4 : i64, tpu.core_type = #tpu.core_type<sc_vector_subcore>, window_params = [{transform_indices = #map}, {transform_indices = #map}, {transform_indices = #map}, {transform_indices = #map}, {transform_indices = #map}]} {
    %mul3A = arith.constant 2 : i32
    %mul3A_0 = arith.muli %arg1, %mul3A : i32
    %add3A = arith.addi %mul3A_0, %arg0 : i32
    %mul3A_1 = arith.constant 32 : i32
    %mul3A_2 = arith.muli %add3A, %mul3A_1 : i32
    tpu.enqueue_dma source(%arg2 : memref<2x100x128xf32, #tpu.memory_space<hbm>>) target(%arg7 : memref<2x100x128xf32, #tpu.memory_space<vmem>>) target_semaphore(%arg10 : memref<!tpu.dma_semaphore, #tpu.memory_space<semaphore_mem>>)
    %dma_start3A = arith.constant 0 : i32
    %dma_start3A_3 = arith.constant 0 : i32
    %dma_start3A_4 = tpu.memref_slice %arg3[%mul3A_2, %dma_start3A, %dma_start3A_3] : memref<1024x2x100xi32, #tpu.memory_space<hbm>> -> memref<32x2x100xi32, #tpu.memory_space<hbm>>
    %dma_start3A_5 = arith.constant 0 : i32
    %dma_start3A_6 = arith.constant 0 : i32
    %dma_start3A_7 = tpu.memref_slice %arg3[%mul3A_2, %dma_start3A_5, %dma_start3A_6] : memref<1024x2x100xi32, #tpu.memory_space<hbm>> -> memref<32x2x100xi32, #tpu.memory_space<hbm>>
    tpu.enqueue_dma source(%dma_start3A_7 : memref<32x2x100xi32, #tpu.memory_space<hbm>>) target(%arg8 : memref<32x2x100xi32, #tpu.memory_space<vmem>>) target_semaphore(%arg10 : memref<!tpu.dma_semaphore, #tpu.memory_space<semaphore_mem>>)
    %dma_start3A_8 = arith.constant 0 : i32
    %dma_start3A_9 = arith.constant 0 : i32
    %dma_start3A_10 = tpu.memref_slice %arg4[%mul3A_2, %dma_start3A_8, %dma_start3A_9] : memref<1024x2x100xi32, #tpu.memory_space<hbm>> -> memref<32x2x100xi32, #tpu.memory_space<hbm>>
    %dma_start3A_11 = arith.constant 0 : i32
    %dma_start3A_12 = arith.constant 0 : i32
    %dma_start3A_13 = tpu.memref_slice %arg4[%mul3A_2, %dma_start3A_11, %dma_start3A_12] : memref<1024x2x100xi32, #tpu.memory_space<hbm>> -> memref<32x2x100xi32, #tpu.memory_space<hbm>>
    tpu.enqueue_dma source(%dma_start3A_13 : memref<32x2x100xi32, #tpu.memory_space<hbm>>) target(%arg9 : memref<32x2x100xi32, #tpu.memory_space<vmem>>) target_semaphore(%arg10 : memref<!tpu.dma_semaphore, #tpu.memory_space<semaphore_mem>>)
    tpu.wait_dma2 semaphore(%arg10 : memref<!tpu.dma_semaphore, #tpu.memory_space<semaphore_mem>>) src(%arg2 : memref<2x100x128xf32, #tpu.memory_space<hbm>>) dst(%arg7 : memref<2x100x128xf32, #tpu.memory_space<vmem>>)
    %dma_wait3A = arith.constant 0 : i32
    %dma_wait3A_14 = arith.constant 0 : i32
    %dma_wait3A_15 = tpu.memref_slice %arg3[%mul3A_2, %dma_wait3A, %dma_wait3A_14] : memref<1024x2x100xi32, #tpu.memory_space<hbm>> -> memref<32x2x100xi32, #tpu.memory_space<hbm>>
    %dma_wait3A_16 = arith.constant 0 : i32
    %dma_wait3A_17 = arith.constant 0 : i32
    %dma_wait3A_18 = tpu.memref_slice %arg3[%mul3A_2, %dma_wait3A_16, %dma_wait3A_17] : memref<1024x2x100xi32, #tpu.memory_space<hbm>> -> memref<32x2x100xi32, #tpu.memory_space<hbm>>
    tpu.wait_dma2 semaphore(%arg10 : memref<!tpu.dma_semaphore, #tpu.memory_space<semaphore_mem>>) src(%dma_wait3A_18 : memref<32x2x100xi32, #tpu.memory_space<hbm>>) dst(%arg8 : memref<32x2x100xi32, #tpu.memory_space<vmem>>)
    %dma_wait3A_19 = arith.constant 0 : i32
    %dma_wait3A_20 = arith.constant 0 : i32
    %dma_wait3A_21 = tpu.memref_slice %arg4[%mul3A_2, %dma_wait3A_19, %dma_wait3A_20] : memref<1024x2x100xi32, #tpu.memory_space<hbm>> -> memref<32x2x100xi32, #tpu.memory_space<hbm>>
    %dma_wait3A_22 = arith.constant 0 : i32
    %dma_wait3A_23 = arith.constant 0 : i32
    %dma_wait3A_24 = tpu.memref_slice %arg4[%mul3A_2, %dma_wait3A_22, %dma_wait3A_23] : memref<1024x2x100xi32, #tpu.memory_space<hbm>> -> memref<32x2x100xi32, #tpu.memory_space<hbm>>
    tpu.wait_dma2 semaphore(%arg10 : memref<!tpu.dma_semaphore, #tpu.memory_space<semaphore_mem>>) src(%dma_wait3A_24 : memref<32x2x100xi32, #tpu.memory_space<hbm>>) dst(%arg9 : memref<32x2x100xi32, #tpu.memory_space<vmem>>)
    %scan3A = arith.constant 0 : i32
    %scan3A_25 = arith.constant 0 : i32
    %scan3A_26 = arith.constant 8 : i32
    %scan3A_27 = arith.addi %scan3A_25, %scan3A_26 : i32
    %scan3A_28 = arith.constant 1 : i32
    scf.for %scan3A_30 = %scan3A_25 to %scan3A_27 step %scan3A_28  : i32 {
      %mul3A_31 = arith.constant 4 : i32
      %mul3A_32 = arith.muli %scan3A_30, %mul3A_31 : i32
      %add3A_33 = arith.constant 0 : i32
      %add3A_34 = arith.addi %mul3A_32, %add3A_33 : i32
      %add3A_35 = arith.addi %mul3A_2, %add3A_34 : i32
      %dma_start3A_36 = arith.constant 0 : i32
      %dma_start3A_37 = arith.constant 0 : i32
      %dma_start3A_38 = arith.constant 0 : i32
      %dma_start3A_39 = arith.constant 0 : i32
      %dma_start3A_40 = tpu.memref_slice %arg7[%dma_start3A_36, %dma_start3A_38, %dma_start3A_39] : memref<2x100x128xf32, #tpu.memory_space<vmem>> -> memref<1x100x128xf32, #tpu.memory_space<vmem>>
      %dma_start3A_41 = tpu.memref_squeeze %dma_start3A_40 : memref<1x100x128xf32, #tpu.memory_space<vmem>> -> memref<100x128xf32, #tpu.memory_space<vmem>>
      %dma_start3A_42 = arith.constant 0 : i32
      %dma_start3A_43 = tpu.memref_slice %arg8[%add3A_34, %dma_start3A_37, %dma_start3A_42] : memref<32x2x100xi32, #tpu.memory_space<vmem>> -> memref<1x1x100xi32, #tpu.memory_space<vmem>>
      %dma_start3A_44 = tpu.memref_squeeze %dma_start3A_43 : memref<1x1x100xi32, #tpu.memory_space<vmem>> -> memref<100xi32, #tpu.memory_space<vmem>>
      %dma_start3A_45 = arith.constant 0 : i32
      %dma_start3A_46 = arith.constant 0 : i32
      %dma_start3A_47 = tpu.memref_slice %arg5[%add3A_35, %dma_start3A_45, %dma_start3A_46] : memref<1024x200x128xf32, #tpu.memory_space<hbm>> -> memref<1x200x128xf32, #tpu.memory_space<hbm>>
      %dma_start3A_48 = tpu.memref_squeeze %dma_start3A_47 : memref<1x200x128xf32, #tpu.memory_space<hbm>> -> memref<200x128xf32, #tpu.memory_space<hbm>>
      %dma_start3A_49 = arith.constant 0 : i32
      %dma_start3A_50 = arith.constant 0 : i32
      %dma_start3A_51 = tpu.memref_slice %dma_start3A_48[%dma_start3A_49, %dma_start3A_50] : memref<200x128xf32, #tpu.memory_space<hbm>> -> memref<200x128xf32, #tpu.memory_space<hbm>>
      tpu.enqueue_indirect_dma source(%dma_start3A_41 : memref<100x128xf32, #tpu.memory_space<vmem>>) target(%dma_start3A_51 : memref<200x128xf32, #tpu.memory_space<hbm>>) offsets(%dma_start3A_44 : memref<100xi32, #tpu.memory_space<vmem>>) semaphore(%arg10 : memref<!tpu.dma_semaphore, #tpu.memory_space<semaphore_mem>>)
      %add3A_52 = arith.addi %mul3A_2, %add3A_34 : i32
      %dma_start3A_53 = arith.constant 0 : i32
      %dma_start3A_54 = arith.constant 0 : i32
      %dma_start3A_55 = arith.constant 0 : i32
      %dma_start3A_56 = arith.constant 0 : i32
      %dma_start3A_57 = tpu.memref_slice %arg7[%dma_start3A_53, %dma_start3A_55, %dma_start3A_56] : memref<2x100x128xf32, #tpu.memory_space<vmem>> -> memref<1x100x128xf32, #tpu.memory_space<vmem>>
      %dma_start3A_58 = tpu.memref_squeeze %dma_start3A_57 : memref<1x100x128xf32, #tpu.memory_space<vmem>> -> memref<100x128xf32, #tpu.memory_space<vmem>>
      %dma_start3A_59 = arith.constant 0 : i32
      %dma_start3A_60 = tpu.memref_slice %arg9[%add3A_34, %dma_start3A_54, %dma_start3A_59] : memref<32x2x100xi32, #tpu.memory_space<vmem>> -> memref<1x1x100xi32, #tpu.memory_space<vmem>>
      %dma_start3A_61 = tpu.memref_squeeze %dma_start3A_60 : memref<1x1x100xi32, #tpu.memory_space<vmem>> -> memref<100xi32, #tpu.memory_space<vmem>>
      %dma_start3A_62 = arith.constant 0 : i32
      %dma_start3A_63 = arith.constant 0 : i32
      %dma_start3A_64 = tpu.memref_slice %arg6[%add3A_52, %dma_start3A_62, %dma_start3A_63] : memref<1024x200x128xf32, #tpu.memory_space<hbm>> -> memref<1x200x128xf32, #tpu.memory_space<hbm>>
      %dma_start3A_65 = tpu.memref_squeeze %dma_start3A_64 : memref<1x200x128xf32, #tpu.memory_space<hbm>> -> memref<200x128xf32, #tpu.memory_space<hbm>>
      %dma_start3A_66 = arith.constant 0 : i32
      %dma_start3A_67 = arith.constant 0 : i32
      %dma_start3A_68 = tpu.memref_slice %dma_start3A_65[%dma_start3A_66, %dma_start3A_67] : memref<200x128xf32, #tpu.memory_space<hbm>> -> memref<200x128xf32, #tpu.memory_space<hbm>>
      tpu.enqueue_indirect_dma source(%dma_start3A_58 : memref<100x128xf32, #tpu.memory_space<vmem>>) target(%dma_start3A_68 : memref<200x128xf32, #tpu.memory_space<hbm>>) offsets(%dma_start3A_61 : memref<100xi32, #tpu.memory_space<vmem>>) semaphore(%arg10 : memref<!tpu.dma_semaphore, #tpu.memory_space<semaphore_mem>>)
      %add3A_69 = arith.addi %mul3A_2, %add3A_34 : i32
      %dma_start3A_70 = arith.constant 1 : i32
      %dma_start3A_71 = arith.constant 1 : i32
      %dma_start3A_72 = arith.constant 0 : i32
      %dma_start3A_73 = arith.constant 0 : i32
      %dma_start3A_74 = tpu.memref_slice %arg7[%dma_start3A_70, %dma_start3A_72, %dma_start3A_73] : memref<2x100x128xf32, #tpu.memory_space<vmem>> -> memref<1x100x128xf32, #tpu.memory_space<vmem>>
      %dma_start3A_75 = tpu.memref_squeeze %dma_start3A_74 : memref<1x100x128xf32, #tpu.memory_space<vmem>> -> memref<100x128xf32, #tpu.memory_space<vmem>>
      %dma_start3A_76 = arith.constant 0 : i32
      %dma_start3A_77 = tpu.memref_slice %arg8[%add3A_34, %dma_start3A_71, %dma_start3A_76] : memref<32x2x100xi32, #tpu.memory_space<vmem>> -> memref<1x1x100xi32, #tpu.memory_space<vmem>>
      %dma_start3A_78 = tpu.memref_squeeze %dma_start3A_77 : memref<1x1x100xi32, #tpu.memory_space<vmem>> -> memref<100xi32, #tpu.memory_space<vmem>>
      %dma_start3A_79 = arith.constant 0 : i32
      %dma_start3A_80 = arith.constant 0 : i32
      %dma_start3A_81 = tpu.memref_slice %arg5[%add3A_69, %dma_start3A_79, %dma_start3A_80] : memref<1024x200x128xf32, #tpu.memory_space<hbm>> -> memref<1x200x128xf32, #tpu.memory_space<hbm>>
      %dma_start3A_82 = tpu.memref_squeeze %dma_start3A_81 : memref<1x200x128xf32, #tpu.memory_space<hbm>> -> memref<200x128xf32, #tpu.memory_space<hbm>>
      %dma_start3A_83 = arith.constant 0 : i32
      %dma_start3A_84 = arith.constant 0 : i32
      %dma_start3A_85 = tpu.memref_slice %dma_start3A_82[%dma_start3A_83, %dma_start3A_84] : memref<200x128xf32, #tpu.memory_space<hbm>> -> memref<200x128xf32, #tpu.memory_space<hbm>>
      tpu.enqueue_indirect_dma source(%dma_start3A_75 : memref<100x128xf32, #tpu.memory_space<vmem>>) target(%dma_start3A_85 : memref<200x128xf32, #tpu.memory_space<hbm>>) offsets(%dma_start3A_78 : memref<100xi32, #tpu.memory_space<vmem>>) semaphore(%arg10 : memref<!tpu.dma_semaphore, #tpu.memory_space<semaphore_mem>>)
      %add3A_86 = arith.addi %mul3A_2, %add3A_34 : i32
      %dma_start3A_87 = arith.constant 1 : i32
      %dma_start3A_88 = arith.constant 1 : i32
      %dma_start3A_89 = arith.constant 0 : i32
      %dma_start3A_90 = arith.constant 0 : i32
      %dma_start3A_91 = tpu.memref_slice %arg7[%dma_start3A_87, %dma_start3A_89, %dma_start3A_90] : memref<2x100x128xf32, #tpu.memory_space<vmem>> -> memref<1x100x128xf32, #tpu.memory_space<vmem>>
      %dma_start3A_92 = tpu.memref_squeeze %dma_start3A_91 : memref<1x100x128xf32, #tpu.memory_space<vmem>> -> memref<100x128xf32, #tpu.memory_space<vmem>>
      %dma_start3A_93 = arith.constant 0 : i32
      %dma_start3A_94 = tpu.memref_slice %arg9[%add3A_34, %dma_start3A_88, %dma_start3A_93] : memref<32x2x100xi32, #tpu.memory_space<vmem>> -> memref<1x1x100xi32, #tpu.memory_space<vmem>>
      %dma_start3A_95 = tpu.memref_squeeze %dma_start3A_94 : memref<1x1x100xi32, #tpu.memory_space<vmem>> -> memref<100xi32, #tpu.memory_space<vmem>>
      %dma_start3A_96 = arith.constant 0 : i32
      %dma_start3A_97 = arith.constant 0 : i32
      %dma_start3A_98 = tpu.memref_slice %arg6[%add3A_86, %dma_start3A_96, %dma_start3A_97] : memref<1024x200x128xf32, #tpu.memory_space<hbm>> -> memref<1x200x128xf32, #tpu.memory_space<hbm>>
      %dma_start3A_99 = tpu.memref_squeeze %dma_start3A_98 : memref<1x200x128xf32, #tpu.memory_space<hbm>> -> memref<200x128xf32, #tpu.memory_space<hbm>>
      %dma_start3A_100 = arith.constant 0 : i32
      %dma_start3A_101 = arith.constant 0 : i32
      %dma_start3A_102 = tpu.memref_slice %dma_start3A_99[%dma_start3A_100, %dma_start3A_101] : memref<200x128xf32, #tpu.memory_space<hbm>> -> memref<200x128xf32, #tpu.memory_space<hbm>>
      tpu.enqueue_indirect_dma source(%dma_start3A_92 : memref<100x128xf32, #tpu.memory_space<vmem>>) target(%dma_start3A_102 : memref<200x128xf32, #tpu.memory_space<hbm>>) offsets(%dma_start3A_95 : memref<100xi32, #tpu.memory_space<vmem>>) semaphore(%arg10 : memref<!tpu.dma_semaphore, #tpu.memory_space<semaphore_mem>>)
      %add3A_103 = arith.constant 1 : i32
      %add3A_104 = arith.addi %mul3A_32, %add3A_103 : i32
      %add3A_105 = arith.addi %mul3A_2, %add3A_104 : i32
      %dma_start3A_106 = arith.constant 0 : i32
      %dma_start3A_107 = arith.constant 0 : i32
      %dma_start3A_108 = arith.constant 0 : i32
      %dma_start3A_109 = arith.constant 0 : i32
      %dma_start3A_110 = tpu.memref_slice %arg7[%dma_start3A_106, %dma_start3A_108, %dma_start3A_109] : memref<2x100x128xf32, #tpu.memory_space<vmem>> -> memref<1x100x128xf32, #tpu.memory_space<vmem>>
      %dma_start3A_111 = tpu.memref_squeeze %dma_start3A_110 : memref<1x100x128xf32, #tpu.memory_space<vmem>> -> memref<100x128xf32, #tpu.memory_space<vmem>>
      %dma_start3A_112 = arith.constant 0 : i32
      %dma_start3A_113 = tpu.memref_slice %arg8[%add3A_104, %dma_start3A_107, %dma_start3A_112] : memref<32x2x100xi32, #tpu.memory_space<vmem>> -> memref<1x1x100xi32, #tpu.memory_space<vmem>>
      %dma_start3A_114 = tpu.memref_squeeze %dma_start3A_113 : memref<1x1x100xi32, #tpu.memory_space<vmem>> -> memref<100xi32, #tpu.memory_space<vmem>>
      %dma_start3A_115 = arith.constant 0 : i32
      %dma_start3A_116 = arith.constant 0 : i32
      %dma_start3A_117 = tpu.memref_slice %arg5[%add3A_105, %dma_start3A_115, %dma_start3A_116] : memref<1024x200x128xf32, #tpu.memory_space<hbm>> -> memref<1x200x128xf32, #tpu.memory_space<hbm>>
      %dma_start3A_118 = tpu.memref_squeeze %dma_start3A_117 : memref<1x200x128xf32, #tpu.memory_space<hbm>> -> memref<200x128xf32, #tpu.memory_space<hbm>>
      %dma_start3A_119 = arith.constant 0 : i32
      %dma_start3A_120 = arith.constant 0 : i32
      %dma_start3A_121 = tpu.memref_slice %dma_start3A_118[%dma_start3A_119, %dma_start3A_120] : memref<200x128xf32, #tpu.memory_space<hbm>> -> memref<200x128xf32, #tpu.memory_space<hbm>>
      tpu.enqueue_indirect_dma source(%dma_start3A_111 : memref<100x128xf32, #tpu.memory_space<vmem>>) target(%dma_start3A_121 : memref<200x128xf32, #tpu.memory_space<hbm>>) offsets(%dma_start3A_114 : memref<100xi32, #tpu.memory_space<vmem>>) semaphore(%arg10 : memref<!tpu.dma_semaphore, #tpu.memory_space<semaphore_mem>>)
      %add3A_122 = arith.addi %mul3A_2, %add3A_104 : i32
      %dma_start3A_123 = arith.constant 0 : i32
      %dma_start3A_124 = arith.constant 0 : i32
      %dma_start3A_125 = arith.constant 0 : i32
      %dma_start3A_126 = arith.constant 0 : i32
      %dma_start3A_127 = tpu.memref_slice %arg7[%dma_start3A_123, %dma_start3A_125, %dma_start3A_126] : memref<2x100x128xf32, #tpu.memory_space<vmem>> -> memref<1x100x128xf32, #tpu.memory_space<vmem>>
      %dma_start3A_128 = tpu.memref_squeeze %dma_start3A_127 : memref<1x100x128xf32, #tpu.memory_space<vmem>> -> memref<100x128xf32, #tpu.memory_space<vmem>>
      %dma_start3A_129 = arith.constant 0 : i32
      %dma_start3A_130 = tpu.memref_slice %arg9[%add3A_104, %dma_start3A_124, %dma_start3A_129] : memref<32x2x100xi32, #tpu.memory_space<vmem>> -> memref<1x1x100xi32, #tpu.memory_space<vmem>>
      %dma_start3A_131 = tpu.memref_squeeze %dma_start3A_130 : memref<1x1x100xi32, #tpu.memory_space<vmem>> -> memref<100xi32, #tpu.memory_space<vmem>>
      %dma_start3A_132 = arith.constant 0 : i32
      %dma_start3A_133 = arith.constant 0 : i32
      %dma_start3A_134 = tpu.memref_slice %arg6[%add3A_122, %dma_start3A_132, %dma_start3A_133] : memref<1024x200x128xf32, #tpu.memory_space<hbm>> -> memref<1x200x128xf32, #tpu.memory_space<hbm>>
      %dma_start3A_135 = tpu.memref_squeeze %dma_start3A_134 : memref<1x200x128xf32, #tpu.memory_space<hbm>> -> memref<200x128xf32, #tpu.memory_space<hbm>>
      %dma_start3A_136 = arith.constant 0 : i32
      %dma_start3A_137 = arith.constant 0 : i32
      %dma_start3A_138 = tpu.memref_slice %dma_start3A_135[%dma_start3A_136, %dma_start3A_137] : memref<200x128xf32, #tpu.memory_space<hbm>> -> memref<200x128xf32, #tpu.memory_space<hbm>>
      tpu.enqueue_indirect_dma source(%dma_start3A_128 : memref<100x128xf32, #tpu.memory_space<vmem>>) target(%dma_start3A_138 : memref<200x128xf32, #tpu.memory_space<hbm>>) offsets(%dma_start3A_131 : memref<100xi32, #tpu.memory_space<vmem>>) semaphore(%arg10 : memref<!tpu.dma_semaphore, #tpu.memory_space<semaphore_mem>>)
      %add3A_139 = arith.addi %mul3A_2, %add3A_104 : i32
      %dma_start3A_140 = arith.constant 1 : i32
      %dma_start3A_141 = arith.constant 1 : i32
      %dma_start3A_142 = arith.constant 0 : i32
      %dma_start3A_143 = arith.constant 0 : i32
      %dma_start3A_144 = tpu.memref_slice %arg7[%dma_start3A_140, %dma_start3A_142, %dma_start3A_143] : memref<2x100x128xf32, #tpu.memory_space<vmem>> -> memref<1x100x128xf32, #tpu.memory_space<vmem>>
      %dma_start3A_145 = tpu.memref_squeeze %dma_start3A_144 : memref<1x100x128xf32, #tpu.memory_space<vmem>> -> memref<100x128xf32, #tpu.memory_space<vmem>>
      %dma_start3A_146 = arith.constant 0 : i32
      %dma_start3A_147 = tpu.memref_slice %arg8[%add3A_104, %dma_start3A_141, %dma_start3A_146] : memref<32x2x100xi32, #tpu.memory_space<vmem>> -> memref<1x1x100xi32, #tpu.memory_space<vmem>>
      %dma_start3A_148 = tpu.memref_squeeze %dma_start3A_147 : memref<1x1x100xi32, #tpu.memory_space<vmem>> -> memref<100xi32, #tpu.memory_space<vmem>>
      %dma_start3A_149 = arith.constant 0 : i32
      %dma_start3A_150 = arith.constant 0 : i32
      %dma_start3A_151 = tpu.memref_slice %arg5[%add3A_139, %dma_start3A_149, %dma_start3A_150] : memref<1024x200x128xf32, #tpu.memory_space<hbm>> -> memref<1x200x128xf32, #tpu.memory_space<hbm>>
      %dma_start3A_152 = tpu.memref_squeeze %dma_start3A_151 : memref<1x200x128xf32, #tpu.memory_space<hbm>> -> memref<200x128xf32, #tpu.memory_space<hbm>>
      %dma_start3A_153 = arith.constant 0 : i32
      %dma_start3A_154 = arith.constant 0 : i32
      %dma_start3A_155 = tpu.memref_slice %dma_start3A_152[%dma_start3A_153, %dma_start3A_154] : memref<200x128xf32, #tpu.memory_space<hbm>> -> memref<200x128xf32, #tpu.memory_space<hbm>>
      tpu.enqueue_indirect_dma source(%dma_start3A_145 : memref<100x128xf32, #tpu.memory_space<vmem>>) target(%dma_start3A_155 : memref<200x128xf32, #tpu.memory_space<hbm>>) offsets(%dma_start3A_148 : memref<100xi32, #tpu.memory_space<vmem>>) semaphore(%arg10 : memref<!tpu.dma_semaphore, #tpu.memory_space<semaphore_mem>>)
      %add3A_156 = arith.addi %mul3A_2, %add3A_104 : i32
      %dma_start3A_157 = arith.constant 1 : i32
      %dma_start3A_158 = arith.constant 1 : i32
      %dma_start3A_159 = arith.constant 0 : i32
      %dma_start3A_160 = arith.constant 0 : i32
      %dma_start3A_161 = tpu.memref_slice %arg7[%dma_start3A_157, %dma_start3A_159, %dma_start3A_160] : memref<2x100x128xf32, #tpu.memory_space<vmem>> -> memref<1x100x128xf32, #tpu.memory_space<vmem>>
      %dma_start3A_162 = tpu.memref_squeeze %dma_start3A_161 : memref<1x100x128xf32, #tpu.memory_space<vmem>> -> memref<100x128xf32, #tpu.memory_space<vmem>>
      %dma_start3A_163 = arith.constant 0 : i32
      %dma_start3A_164 = tpu.memref_slice %arg9[%add3A_104, %dma_start3A_158, %dma_start3A_163] : memref<32x2x100xi32, #tpu.memory_space<vmem>> -> memref<1x1x100xi32, #tpu.memory_space<vmem>>
      %dma_start3A_165 = tpu.memref_squeeze %dma_start3A_164 : memref<1x1x100xi32, #tpu.memory_space<vmem>> -> memref<100xi32, #tpu.memory_space<vmem>>
      %dma_start3A_166 = arith.constant 0 : i32
      %dma_start3A_167 = arith.constant 0 : i32
      %dma_start3A_168 = tpu.memref_slice %arg6[%add3A_156, %dma_start3A_166, %dma_start3A_167] : memref<1024x200x128xf32, #tpu.memory_space<hbm>> -> memref<1x200x128xf32, #tpu.memory_space<hbm>>
      %dma_start3A_169 = tpu.memref_squeeze %dma_start3A_168 : memref<1x200x128xf32, #tpu.memory_space<hbm>> -> memref<200x128xf32, #tpu.memory_space<hbm>>
      %dma_start3A_170 = arith.constant 0 : i32
      %dma_start3A_171 = arith.constant 0 : i32
      %dma_start3A_172 = tpu.memref_slice %dma_start3A_169[%dma_start3A_170, %dma_start3A_171] : memref<200x128xf32, #tpu.memory_space<hbm>> -> memref<200x128xf32, #tpu.memory_space<hbm>>
      tpu.enqueue_indirect_dma source(%dma_start3A_162 : memref<100x128xf32, #tpu.memory_space<vmem>>) target(%dma_start3A_172 : memref<200x128xf32, #tpu.memory_space<hbm>>) offsets(%dma_start3A_165 : memref<100xi32, #tpu.memory_space<vmem>>) semaphore(%arg10 : memref<!tpu.dma_semaphore, #tpu.memory_space<semaphore_mem>>)
      %add3A_173 = arith.constant 2 : i32
      %add3A_174 = arith.addi %mul3A_32, %add3A_173 : i32
      %add3A_175 = arith.addi %mul3A_2, %add3A_174 : i32
      %dma_start3A_176 = arith.constant 0 : i32
      %dma_start3A_177 = arith.constant 0 : i32
      %dma_start3A_178 = arith.constant 0 : i32
      %dma_start3A_179 = arith.constant 0 : i32
      %dma_start3A_180 = tpu.memref_slice %arg7[%dma_start3A_176, %dma_start3A_178, %dma_start3A_179] : memref<2x100x128xf32, #tpu.memory_space<vmem>> -> memref<1x100x128xf32, #tpu.memory_space<vmem>>
      %dma_start3A_181 = tpu.memref_squeeze %dma_start3A_180 : memref<1x100x128xf32, #tpu.memory_space<vmem>> -> memref<100x128xf32, #tpu.memory_space<vmem>>
      %dma_start3A_182 = arith.constant 0 : i32
      %dma_start3A_183 = tpu.memref_slice %arg8[%add3A_174, %dma_start3A_177, %dma_start3A_182] : memref<32x2x100xi32, #tpu.memory_space<vmem>> -> memref<1x1x100xi32, #tpu.memory_space<vmem>>
      %dma_start3A_184 = tpu.memref_squeeze %dma_start3A_183 : memref<1x1x100xi32, #tpu.memory_space<vmem>> -> memref<100xi32, #tpu.memory_space<vmem>>
      %dma_start3A_185 = arith.constant 0 : i32
      %dma_start3A_186 = arith.constant 0 : i32
      %dma_start3A_187 = tpu.memref_slice %arg5[%add3A_175, %dma_start3A_185, %dma_start3A_186] : memref<1024x200x128xf32, #tpu.memory_space<hbm>> -> memref<1x200x128xf32, #tpu.memory_space<hbm>>
      %dma_start3A_188 = tpu.memref_squeeze %dma_start3A_187 : memref<1x200x128xf32, #tpu.memory_space<hbm>> -> memref<200x128xf32, #tpu.memory_space<hbm>>
      %dma_start3A_189 = arith.constant 0 : i32
      %dma_start3A_190 = arith.constant 0 : i32
      %dma_start3A_191 = tpu.memref_slice %dma_start3A_188[%dma_start3A_189, %dma_start3A_190] : memref<200x128xf32, #tpu.memory_space<hbm>> -> memref<200x128xf32, #tpu.memory_space<hbm>>
      tpu.enqueue_indirect_dma source(%dma_start3A_181 : memref<100x128xf32, #tpu.memory_space<vmem>>) target(%dma_start3A_191 : memref<200x128xf32, #tpu.memory_space<hbm>>) offsets(%dma_start3A_184 : memref<100xi32, #tpu.memory_space<vmem>>) semaphore(%arg10 : memref<!tpu.dma_semaphore, #tpu.memory_space<semaphore_mem>>)
      %add3A_192 = arith.addi %mul3A_2, %add3A_174 : i32
      %dma_start3A_193 = arith.constant 0 : i32
      %dma_start3A_194 = arith.constant 0 : i32
      %dma_start3A_195 = arith.constant 0 : i32
      %dma_start3A_196 = arith.constant 0 : i32
      %dma_start3A_197 = tpu.memref_slice %arg7[%dma_start3A_193, %dma_start3A_195, %dma_start3A_196] : memref<2x100x128xf32, #tpu.memory_space<vmem>> -> memref<1x100x128xf32, #tpu.memory_space<vmem>>
      %dma_start3A_198 = tpu.memref_squeeze %dma_start3A_197 : memref<1x100x128xf32, #tpu.memory_space<vmem>> -> memref<100x128xf32, #tpu.memory_space<vmem>>
      %dma_start3A_199 = arith.constant 0 : i32
      %dma_start3A_200 = tpu.memref_slice %arg9[%add3A_174, %dma_start3A_194, %dma_start3A_199] : memref<32x2x100xi32, #tpu.memory_space<vmem>> -> memref<1x1x100xi32, #tpu.memory_space<vmem>>
      %dma_start3A_201 = tpu.memref_squeeze %dma_start3A_200 : memref<1x1x100xi32, #tpu.memory_space<vmem>> -> memref<100xi32, #tpu.memory_space<vmem>>
      %dma_start3A_202 = arith.constant 0 : i32
      %dma_start3A_203 = arith.constant 0 : i32
      %dma_start3A_204 = tpu.memref_slice %arg6[%add3A_192, %dma_start3A_202, %dma_start3A_203] : memref<1024x200x128xf32, #tpu.memory_space<hbm>> -> memref<1x200x128xf32, #tpu.memory_space<hbm>>
      %dma_start3A_205 = tpu.memref_squeeze %dma_start3A_204 : memref<1x200x128xf32, #tpu.memory_space<hbm>> -> memref<200x128xf32, #tpu.memory_space<hbm>>
      %dma_start3A_206 = arith.constant 0 : i32
      %dma_start3A_207 = arith.constant 0 : i32
      %dma_start3A_208 = tpu.memref_slice %dma_start3A_205[%dma_start3A_206, %dma_start3A_207] : memref<200x128xf32, #tpu.memory_space<hbm>> -> memref<200x128xf32, #tpu.memory_space<hbm>>
      tpu.enqueue_indirect_dma source(%dma_start3A_198 : memref<100x128xf32, #tpu.memory_space<vmem>>) target(%dma_start3A_208 : memref<200x128xf32, #tpu.memory_space<hbm>>) offsets(%dma_start3A_201 : memref<100xi32, #tpu.memory_space<vmem>>) semaphore(%arg10 : memref<!tpu.dma_semaphore, #tpu.memory_space<semaphore_mem>>)
      %add3A_209 = arith.addi %mul3A_2, %add3A_174 : i32
      %dma_start3A_210 = arith.constant 1 : i32
      %dma_start3A_211 = arith.constant 1 : i32
      %dma_start3A_212 = arith.constant 0 : i32
      %dma_start3A_213 = arith.constant 0 : i32
      %dma_start3A_214 = tpu.memref_slice %arg7[%dma_start3A_210, %dma_start3A_212, %dma_start3A_213] : memref<2x100x128xf32, #tpu.memory_space<vmem>> -> memref<1x100x128xf32, #tpu.memory_space<vmem>>
      %dma_start3A_215 = tpu.memref_squeeze %dma_start3A_214 : memref<1x100x128xf32, #tpu.memory_space<vmem>> -> memref<100x128xf32, #tpu.memory_space<vmem>>
      %dma_start3A_216 = arith.constant 0 : i32
      %dma_start3A_217 = tpu.memref_slice %arg8[%add3A_174, %dma_start3A_211, %dma_start3A_216] : memref<32x2x100xi32, #tpu.memory_space<vmem>> -> memref<1x1x100xi32, #tpu.memory_space<vmem>>
      %dma_start3A_218 = tpu.memref_squeeze %dma_start3A_217 : memref<1x1x100xi32, #tpu.memory_space<vmem>> -> memref<100xi32, #tpu.memory_space<vmem>>
      %dma_start3A_219 = arith.constant 0 : i32
      %dma_start3A_220 = arith.constant 0 : i32
      %dma_start3A_221 = tpu.memref_slice %arg5[%add3A_209, %dma_start3A_219, %dma_start3A_220] : memref<1024x200x128xf32, #tpu.memory_space<hbm>> -> memref<1x200x128xf32, #tpu.memory_space<hbm>>
      %dma_start3A_222 = tpu.memref_squeeze %dma_start3A_221 : memref<1x200x128xf32, #tpu.memory_space<hbm>> -> memref<200x128xf32, #tpu.memory_space<hbm>>
      %dma_start3A_223 = arith.constant 0 : i32
      %dma_start3A_224 = arith.constant 0 : i32
      %dma_start3A_225 = tpu.memref_slice %dma_start3A_222[%dma_start3A_223, %dma_start3A_224] : memref<200x128xf32, #tpu.memory_space<hbm>> -> memref<200x128xf32, #tpu.memory_space<hbm>>
      tpu.enqueue_indirect_dma source(%dma_start3A_215 : memref<100x128xf32, #tpu.memory_space<vmem>>) target(%dma_start3A_225 : memref<200x128xf32, #tpu.memory_space<hbm>>) offsets(%dma_start3A_218 : memref<100xi32, #tpu.memory_space<vmem>>) semaphore(%arg10 : memref<!tpu.dma_semaphore, #tpu.memory_space<semaphore_mem>>)
      %add3A_226 = arith.addi %mul3A_2, %add3A_174 : i32
      %dma_start3A_227 = arith.constant 1 : i32
      %dma_start3A_228 = arith.constant 1 : i32
      %dma_start3A_229 = arith.constant 0 : i32
      %dma_start3A_230 = arith.constant 0 : i32
      %dma_start3A_231 = tpu.memref_slice %arg7[%dma_start3A_227, %dma_start3A_229, %dma_start3A_230] : memref<2x100x128xf32, #tpu.memory_space<vmem>> -> memref<1x100x128xf32, #tpu.memory_space<vmem>>
      %dma_start3A_232 = tpu.memref_squeeze %dma_start3A_231 : memref<1x100x128xf32, #tpu.memory_space<vmem>> -> memref<100x128xf32, #tpu.memory_space<vmem>>
      %dma_start3A_233 = arith.constant 0 : i32
      %dma_start3A_234 = tpu.memref_slice %arg9[%add3A_174, %dma_start3A_228, %dma_start3A_233] : memref<32x2x100xi32, #tpu.memory_space<vmem>> -> memref<1x1x100xi32, #tpu.memory_space<vmem>>
      %dma_start3A_235 = tpu.memref_squeeze %dma_start3A_234 : memref<1x1x100xi32, #tpu.memory_space<vmem>> -> memref<100xi32, #tpu.memory_space<vmem>>
      %dma_start3A_236 = arith.constant 0 : i32
      %dma_start3A_237 = arith.constant 0 : i32
      %dma_start3A_238 = tpu.memref_slice %arg6[%add3A_226, %dma_start3A_236, %dma_start3A_237] : memref<1024x200x128xf32, #tpu.memory_space<hbm>> -> memref<1x200x128xf32, #tpu.memory_space<hbm>>
      %dma_start3A_239 = tpu.memref_squeeze %dma_start3A_238 : memref<1x200x128xf32, #tpu.memory_space<hbm>> -> memref<200x128xf32, #tpu.memory_space<hbm>>
      %dma_start3A_240 = arith.constant 0 : i32
      %dma_start3A_241 = arith.constant 0 : i32
      %dma_start3A_242 = tpu.memref_slice %dma_start3A_239[%dma_start3A_240, %dma_start3A_241] : memref<200x128xf32, #tpu.memory_space<hbm>> -> memref<200x128xf32, #tpu.memory_space<hbm>>
      tpu.enqueue_indirect_dma source(%dma_start3A_232 : memref<100x128xf32, #tpu.memory_space<vmem>>) target(%dma_start3A_242 : memref<200x128xf32, #tpu.memory_space<hbm>>) offsets(%dma_start3A_235 : memref<100xi32, #tpu.memory_space<vmem>>) semaphore(%arg10 : memref<!tpu.dma_semaphore, #tpu.memory_space<semaphore_mem>>)
      %add3A_243 = arith.constant 3 : i32
      %add3A_244 = arith.addi %mul3A_32, %add3A_243 : i32
      %add3A_245 = arith.addi %mul3A_2, %add3A_244 : i32
      %dma_start3A_246 = arith.constant 0 : i32
      %dma_start3A_247 = arith.constant 0 : i32
      %dma_start3A_248 = arith.constant 0 : i32
      %dma_start3A_249 = arith.constant 0 : i32
      %dma_start3A_250 = tpu.memref_slice %arg7[%dma_start3A_246, %dma_start3A_248, %dma_start3A_249] : memref<2x100x128xf32, #tpu.memory_space<vmem>> -> memref<1x100x128xf32, #tpu.memory_space<vmem>>
      %dma_start3A_251 = tpu.memref_squeeze %dma_start3A_250 : memref<1x100x128xf32, #tpu.memory_space<vmem>> -> memref<100x128xf32, #tpu.memory_space<vmem>>
      %dma_start3A_252 = arith.constant 0 : i32
      %dma_start3A_253 = tpu.memref_slice %arg8[%add3A_244, %dma_start3A_247, %dma_start3A_252] : memref<32x2x100xi32, #tpu.memory_space<vmem>> -> memref<1x1x100xi32, #tpu.memory_space<vmem>>
      %dma_start3A_254 = tpu.memref_squeeze %dma_start3A_253 : memref<1x1x100xi32, #tpu.memory_space<vmem>> -> memref<100xi32, #tpu.memory_space<vmem>>
      %dma_start3A_255 = arith.constant 0 : i32
      %dma_start3A_256 = arith.constant 0 : i32
      %dma_start3A_257 = tpu.memref_slice %arg5[%add3A_245, %dma_start3A_255, %dma_start3A_256] : memref<1024x200x128xf32, #tpu.memory_space<hbm>> -> memref<1x200x128xf32, #tpu.memory_space<hbm>>
      %dma_start3A_258 = tpu.memref_squeeze %dma_start3A_257 : memref<1x200x128xf32, #tpu.memory_space<hbm>> -> memref<200x128xf32, #tpu.memory_space<hbm>>
      %dma_start3A_259 = arith.constant 0 : i32
      %dma_start3A_260 = arith.constant 0 : i32
      %dma_start3A_261 = tpu.memref_slice %dma_start3A_258[%dma_start3A_259, %dma_start3A_260] : memref<200x128xf32, #tpu.memory_space<hbm>> -> memref<200x128xf32, #tpu.memory_space<hbm>>
      tpu.enqueue_indirect_dma source(%dma_start3A_251 : memref<100x128xf32, #tpu.memory_space<vmem>>) target(%dma_start3A_261 : memref<200x128xf32, #tpu.memory_space<hbm>>) offsets(%dma_start3A_254 : memref<100xi32, #tpu.memory_space<vmem>>) semaphore(%arg10 : memref<!tpu.dma_semaphore, #tpu.memory_space<semaphore_mem>>)
      %add3A_262 = arith.addi %mul3A_2, %add3A_244 : i32
      %dma_start3A_263 = arith.constant 0 : i32
      %dma_start3A_264 = arith.constant 0 : i32
      %dma_start3A_265 = arith.constant 0 : i32
      %dma_start3A_266 = arith.constant 0 : i32
      %dma_start3A_267 = tpu.memref_slice %arg7[%dma_start3A_263, %dma_start3A_265, %dma_start3A_266] : memref<2x100x128xf32, #tpu.memory_space<vmem>> -> memref<1x100x128xf32, #tpu.memory_space<vmem>>
      %dma_start3A_268 = tpu.memref_squeeze %dma_start3A_267 : memref<1x100x128xf32, #tpu.memory_space<vmem>> -> memref<100x128xf32, #tpu.memory_space<vmem>>
      %dma_start3A_269 = arith.constant 0 : i32
      %dma_start3A_270 = tpu.memref_slice %arg9[%add3A_244, %dma_start3A_264, %dma_start3A_269] : memref<32x2x100xi32, #tpu.memory_space<vmem>> -> memref<1x1x100xi32, #tpu.memory_space<vmem>>
      %dma_start3A_271 = tpu.memref_squeeze %dma_start3A_270 : memref<1x1x100xi32, #tpu.memory_space<vmem>> -> memref<100xi32, #tpu.memory_space<vmem>>
      %dma_start3A_272 = arith.constant 0 : i32
      %dma_start3A_273 = arith.constant 0 : i32
      %dma_start3A_274 = tpu.memref_slice %arg6[%add3A_262, %dma_start3A_272, %dma_start3A_273] : memref<1024x200x128xf32, #tpu.memory_space<hbm>> -> memref<1x200x128xf32, #tpu.memory_space<hbm>>
      %dma_start3A_275 = tpu.memref_squeeze %dma_start3A_274 : memref<1x200x128xf32, #tpu.memory_space<hbm>> -> memref<200x128xf32, #tpu.memory_space<hbm>>
      %dma_start3A_276 = arith.constant 0 : i32
      %dma_start3A_277 = arith.constant 0 : i32
      %dma_start3A_278 = tpu.memref_slice %dma_start3A_275[%dma_start3A_276, %dma_start3A_277] : memref<200x128xf32, #tpu.memory_space<hbm>> -> memref<200x128xf32, #tpu.memory_space<hbm>>
      tpu.enqueue_indirect_dma source(%dma_start3A_268 : memref<100x128xf32, #tpu.memory_space<vmem>>) target(%dma_start3A_278 : memref<200x128xf32, #tpu.memory_space<hbm>>) offsets(%dma_start3A_271 : memref<100xi32, #tpu.memory_space<vmem>>) semaphore(%arg10 : memref<!tpu.dma_semaphore, #tpu.memory_space<semaphore_mem>>)
      %add3A_279 = arith.addi %mul3A_2, %add3A_244 : i32
      %dma_start3A_280 = arith.constant 1 : i32
      %dma_start3A_281 = arith.constant 1 : i32
      %dma_start3A_282 = arith.constant 0 : i32
      %dma_start3A_283 = arith.constant 0 : i32
      %dma_start3A_284 = tpu.memref_slice %arg7[%dma_start3A_280, %dma_start3A_282, %dma_start3A_283] : memref<2x100x128xf32, #tpu.memory_space<vmem>> -> memref<1x100x128xf32, #tpu.memory_space<vmem>>
      %dma_start3A_285 = tpu.memref_squeeze %dma_start3A_284 : memref<1x100x128xf32, #tpu.memory_space<vmem>> -> memref<100x128xf32, #tpu.memory_space<vmem>>
      %dma_start3A_286 = arith.constant 0 : i32
      %dma_start3A_287 = tpu.memref_slice %arg8[%add3A_244, %dma_start3A_281, %dma_start3A_286] : memref<32x2x100xi32, #tpu.memory_space<vmem>> -> memref<1x1x100xi32, #tpu.memory_space<vmem>>
      %dma_start3A_288 = tpu.memref_squeeze %dma_start3A_287 : memref<1x1x100xi32, #tpu.memory_space<vmem>> -> memref<100xi32, #tpu.memory_space<vmem>>
      %dma_start3A_289 = arith.constant 0 : i32
      %dma_start3A_290 = arith.constant 0 : i32
      %dma_start3A_291 = tpu.memref_slice %arg5[%add3A_279, %dma_start3A_289, %dma_start3A_290] : memref<1024x200x128xf32, #tpu.memory_space<hbm>> -> memref<1x200x128xf32, #tpu.memory_space<hbm>>
      %dma_start3A_292 = tpu.memref_squeeze %dma_start3A_291 : memref<1x200x128xf32, #tpu.memory_space<hbm>> -> memref<200x128xf32, #tpu.memory_space<hbm>>
      %dma_start3A_293 = arith.constant 0 : i32
      %dma_start3A_294 = arith.constant 0 : i32
      %dma_start3A_295 = tpu.memref_slice %dma_start3A_292[%dma_start3A_293, %dma_start3A_294] : memref<200x128xf32, #tpu.memory_space<hbm>> -> memref<200x128xf32, #tpu.memory_space<hbm>>
      tpu.enqueue_indirect_dma source(%dma_start3A_285 : memref<100x128xf32, #tpu.memory_space<vmem>>) target(%dma_start3A_295 : memref<200x128xf32, #tpu.memory_space<hbm>>) offsets(%dma_start3A_288 : memref<100xi32, #tpu.memory_space<vmem>>) semaphore(%arg10 : memref<!tpu.dma_semaphore, #tpu.memory_space<semaphore_mem>>)
      %add3A_296 = arith.addi %mul3A_2, %add3A_244 : i32
      %dma_start3A_297 = arith.constant 1 : i32
      %dma_start3A_298 = arith.constant 1 : i32
      %dma_start3A_299 = arith.constant 0 : i32
      %dma_start3A_300 = arith.constant 0 : i32
      %dma_start3A_301 = tpu.memref_slice %arg7[%dma_start3A_297, %dma_start3A_299, %dma_start3A_300] : memref<2x100x128xf32, #tpu.memory_space<vmem>> -> memref<1x100x128xf32, #tpu.memory_space<vmem>>
      %dma_start3A_302 = tpu.memref_squeeze %dma_start3A_301 : memref<1x100x128xf32, #tpu.memory_space<vmem>> -> memref<100x128xf32, #tpu.memory_space<vmem>>
      %dma_start3A_303 = arith.constant 0 : i32
      %dma_start3A_304 = tpu.memref_slice %arg9[%add3A_244, %dma_start3A_298, %dma_start3A_303] : memref<32x2x100xi32, #tpu.memory_space<vmem>> -> memref<1x1x100xi32, #tpu.memory_space<vmem>>
      %dma_start3A_305 = tpu.memref_squeeze %dma_start3A_304 : memref<1x1x100xi32, #tpu.memory_space<vmem>> -> memref<100xi32, #tpu.memory_space<vmem>>
      %dma_start3A_306 = arith.constant 0 : i32
      %dma_start3A_307 = arith.constant 0 : i32
      %dma_start3A_308 = tpu.memref_slice %arg6[%add3A_296, %dma_start3A_306, %dma_start3A_307] : memref<1024x200x128xf32, #tpu.memory_space<hbm>> -> memref<1x200x128xf32, #tpu.memory_space<hbm>>
      %dma_start3A_309 = tpu.memref_squeeze %dma_start3A_308 : memref<1x200x128xf32, #tpu.memory_space<hbm>> -> memref<200x128xf32, #tpu.memory_space<hbm>>
      %dma_start3A_310 = arith.constant 0 : i32
      %dma_start3A_311 = arith.constant 0 : i32
      %dma_start3A_312 = tpu.memref_slice %dma_start3A_309[%dma_start3A_310, %dma_start3A_311] : memref<200x128xf32, #tpu.memory_space<hbm>> -> memref<200x128xf32, #tpu.memory_space<hbm>>
      tpu.enqueue_indirect_dma source(%dma_start3A_302 : memref<100x128xf32, #tpu.memory_space<vmem>>) target(%dma_start3A_312 : memref<200x128xf32, #tpu.memory_space<hbm>>) offsets(%dma_start3A_305 : memref<100xi32, #tpu.memory_space<vmem>>) semaphore(%arg10 : memref<!tpu.dma_semaphore, #tpu.memory_space<semaphore_mem>>)
      %dma_wait3A_313 = arith.constant 0 : i32
      %dma_wait3A_314 = arith.constant 0 : i32
      %dma_wait3A_315 = arith.constant 0 : i32
      %dma_wait3A_316 = arith.constant 0 : i32
      %dma_wait3A_317 = tpu.memref_slice %arg7[%dma_wait3A_313, %dma_wait3A_315, %dma_wait3A_316] : memref<2x100x128xf32, #tpu.memory_space<vmem>> -> memref<1x100x128xf32, #tpu.memory_space<vmem>>
      %dma_wait3A_318 = tpu.memref_squeeze %dma_wait3A_317 : memref<1x100x128xf32, #tpu.memory_space<vmem>> -> memref<100x128xf32, #tpu.memory_space<vmem>>
      %dma_wait3A_319 = arith.constant 0 : i32
      %dma_wait3A_320 = tpu.memref_slice %arg8[%add3A_34, %dma_wait3A_314, %dma_wait3A_319] : memref<32x2x100xi32, #tpu.memory_space<vmem>> -> memref<1x1x100xi32, #tpu.memory_space<vmem>>
      %dma_wait3A_321 = tpu.memref_squeeze %dma_wait3A_320 : memref<1x1x100xi32, #tpu.memory_space<vmem>> -> memref<100xi32, #tpu.memory_space<vmem>>
      %dma_wait3A_322 = arith.constant 0 : i32
      %dma_wait3A_323 = arith.constant 0 : i32
      %dma_wait3A_324 = tpu.memref_slice %arg5[%add3A_35, %dma_wait3A_322, %dma_wait3A_323] : memref<1024x200x128xf32, #tpu.memory_space<hbm>> -> memref<1x200x128xf32, #tpu.memory_space<hbm>>
      %dma_wait3A_325 = tpu.memref_squeeze %dma_wait3A_324 : memref<1x200x128xf32, #tpu.memory_space<hbm>> -> memref<200x128xf32, #tpu.memory_space<hbm>>
      %dma_wait3A_326 = arith.constant 0 : i32
      %dma_wait3A_327 = arith.constant 0 : i32
      %dma_wait3A_328 = tpu.memref_slice %dma_wait3A_325[%dma_wait3A_326, %dma_wait3A_327] : memref<200x128xf32, #tpu.memory_space<hbm>> -> memref<200x128xf32, #tpu.memory_space<hbm>>
      tpu.wait_indirect_dma semaphore(%arg10 : memref<!tpu.dma_semaphore, #tpu.memory_space<semaphore_mem>>) src(%dma_wait3A_318 : memref<100x128xf32, #tpu.memory_space<vmem>>) dst(%dma_wait3A_328 : memref<200x128xf32, #tpu.memory_space<hbm>>)
      %dma_wait3A_329 = arith.constant 0 : i32
      %dma_wait3A_330 = arith.constant 0 : i32
      %dma_wait3A_331 = arith.constant 0 : i32
      %dma_wait3A_332 = arith.constant 0 : i32
      %dma_wait3A_333 = tpu.memref_slice %arg7[%dma_wait3A_329, %dma_wait3A_331, %dma_wait3A_332] : memref<2x100x128xf32, #tpu.memory_space<vmem>> -> memref<1x100x128xf32, #tpu.memory_space<vmem>>
      %dma_wait3A_334 = tpu.memref_squeeze %dma_wait3A_333 : memref<1x100x128xf32, #tpu.memory_space<vmem>> -> memref<100x128xf32, #tpu.memory_space<vmem>>
      %dma_wait3A_335 = arith.constant 0 : i32
      %dma_wait3A_336 = tpu.memref_slice %arg9[%add3A_34, %dma_wait3A_330, %dma_wait3A_335] : memref<32x2x100xi32, #tpu.memory_space<vmem>> -> memref<1x1x100xi32, #tpu.memory_space<vmem>>
      %dma_wait3A_337 = tpu.memref_squeeze %dma_wait3A_336 : memref<1x1x100xi32, #tpu.memory_space<vmem>> -> memref<100xi32, #tpu.memory_space<vmem>>
      %dma_wait3A_338 = arith.constant 0 : i32
      %dma_wait3A_339 = arith.constant 0 : i32
      %dma_wait3A_340 = tpu.memref_slice %arg6[%add3A_52, %dma_wait3A_338, %dma_wait3A_339] : memref<1024x200x128xf32, #tpu.memory_space<hbm>> -> memref<1x200x128xf32, #tpu.memory_space<hbm>>
      %dma_wait3A_341 = tpu.memref_squeeze %dma_wait3A_340 : memref<1x200x128xf32, #tpu.memory_space<hbm>> -> memref<200x128xf32, #tpu.memory_space<hbm>>
      %dma_wait3A_342 = arith.constant 0 : i32
      %dma_wait3A_343 = arith.constant 0 : i32
      %dma_wait3A_344 = tpu.memref_slice %dma_wait3A_341[%dma_wait3A_342, %dma_wait3A_343] : memref<200x128xf32, #tpu.memory_space<hbm>> -> memref<200x128xf32, #tpu.memory_space<hbm>>
      tpu.wait_indirect_dma semaphore(%arg10 : memref<!tpu.dma_semaphore, #tpu.memory_space<semaphore_mem>>) src(%dma_wait3A_334 : memref<100x128xf32, #tpu.memory_space<vmem>>) dst(%dma_wait3A_344 : memref<200x128xf32, #tpu.memory_space<hbm>>)
      %dma_wait3A_345 = arith.constant 1 : i32
      %dma_wait3A_346 = arith.constant 1 : i32
      %dma_wait3A_347 = arith.constant 0 : i32
      %dma_wait3A_348 = arith.constant 0 : i32
      %dma_wait3A_349 = tpu.memref_slice %arg7[%dma_wait3A_345, %dma_wait3A_347, %dma_wait3A_348] : memref<2x100x128xf32, #tpu.memory_space<vmem>> -> memref<1x100x128xf32, #tpu.memory_space<vmem>>
      %dma_wait3A_350 = tpu.memref_squeeze %dma_wait3A_349 : memref<1x100x128xf32, #tpu.memory_space<vmem>> -> memref<100x128xf32, #tpu.memory_space<vmem>>
      %dma_wait3A_351 = arith.constant 0 : i32
      %dma_wait3A_352 = tpu.memref_slice %arg8[%add3A_34, %dma_wait3A_346, %dma_wait3A_351] : memref<32x2x100xi32, #tpu.memory_space<vmem>> -> memref<1x1x100xi32, #tpu.memory_space<vmem>>
      %dma_wait3A_353 = tpu.memref_squeeze %dma_wait3A_352 : memref<1x1x100xi32, #tpu.memory_space<vmem>> -> memref<100xi32, #tpu.memory_space<vmem>>
      %dma_wait3A_354 = arith.constant 0 : i32
      %dma_wait3A_355 = arith.constant 0 : i32
      %dma_wait3A_356 = tpu.memref_slice %arg5[%add3A_69, %dma_wait3A_354, %dma_wait3A_355] : memref<1024x200x128xf32, #tpu.memory_space<hbm>> -> memref<1x200x128xf32, #tpu.memory_space<hbm>>
      %dma_wait3A_357 = tpu.memref_squeeze %dma_wait3A_356 : memref<1x200x128xf32, #tpu.memory_space<hbm>> -> memref<200x128xf32, #tpu.memory_space<hbm>>
      %dma_wait3A_358 = arith.constant 0 : i32
      %dma_wait3A_359 = arith.constant 0 : i32
      %dma_wait3A_360 = tpu.memref_slice %dma_wait3A_357[%dma_wait3A_358, %dma_wait3A_359] : memref<200x128xf32, #tpu.memory_space<hbm>> -> memref<200x128xf32, #tpu.memory_space<hbm>>
      tpu.wait_indirect_dma semaphore(%arg10 : memref<!tpu.dma_semaphore, #tpu.memory_space<semaphore_mem>>) src(%dma_wait3A_350 : memref<100x128xf32, #tpu.memory_space<vmem>>) dst(%dma_wait3A_360 : memref<200x128xf32, #tpu.memory_space<hbm>>)
      %dma_wait3A_361 = arith.constant 1 : i32
      %dma_wait3A_362 = arith.constant 1 : i32
      %dma_wait3A_363 = arith.constant 0 : i32
      %dma_wait3A_364 = arith.constant 0 : i32
      %dma_wait3A_365 = tpu.memref_slice %arg7[%dma_wait3A_361, %dma_wait3A_363, %dma_wait3A_364] : memref<2x100x128xf32, #tpu.memory_space<vmem>> -> memref<1x100x128xf32, #tpu.memory_space<vmem>>
      %dma_wait3A_366 = tpu.memref_squeeze %dma_wait3A_365 : memref<1x100x128xf32, #tpu.memory_space<vmem>> -> memref<100x128xf32, #tpu.memory_space<vmem>>
      %dma_wait3A_367 = arith.constant 0 : i32
      %dma_wait3A_368 = tpu.memref_slice %arg9[%add3A_34, %dma_wait3A_362, %dma_wait3A_367] : memref<32x2x100xi32, #tpu.memory_space<vmem>> -> memref<1x1x100xi32, #tpu.memory_space<vmem>>
      %dma_wait3A_369 = tpu.memref_squeeze %dma_wait3A_368 : memref<1x1x100xi32, #tpu.memory_space<vmem>> -> memref<100xi32, #tpu.memory_space<vmem>>
      %dma_wait3A_370 = arith.constant 0 : i32
      %dma_wait3A_371 = arith.constant 0 : i32
      %dma_wait3A_372 = tpu.memref_slice %arg6[%add3A_86, %dma_wait3A_370, %dma_wait3A_371] : memref<1024x200x128xf32, #tpu.memory_space<hbm>> -> memref<1x200x128xf32, #tpu.memory_space<hbm>>
      %dma_wait3A_373 = tpu.memref_squeeze %dma_wait3A_372 : memref<1x200x128xf32, #tpu.memory_space<hbm>> -> memref<200x128xf32, #tpu.memory_space<hbm>>
      %dma_wait3A_374 = arith.constant 0 : i32
      %dma_wait3A_375 = arith.constant 0 : i32
      %dma_wait3A_376 = tpu.memref_slice %dma_wait3A_373[%dma_wait3A_374, %dma_wait3A_375] : memref<200x128xf32, #tpu.memory_space<hbm>> -> memref<200x128xf32, #tpu.memory_space<hbm>>
      tpu.wait_indirect_dma semaphore(%arg10 : memref<!tpu.dma_semaphore, #tpu.memory_space<semaphore_mem>>) src(%dma_wait3A_366 : memref<100x128xf32, #tpu.memory_space<vmem>>) dst(%dma_wait3A_376 : memref<200x128xf32, #tpu.memory_space<hbm>>)
      %dma_wait3A_377 = arith.constant 0 : i32
      %dma_wait3A_378 = arith.constant 0 : i32
      %dma_wait3A_379 = arith.constant 0 : i32
      %dma_wait3A_380 = arith.constant 0 : i32
      %dma_wait3A_381 = tpu.memref_slice %arg7[%dma_wait3A_377, %dma_wait3A_379, %dma_wait3A_380] : memref<2x100x128xf32, #tpu.memory_space<vmem>> -> memref<1x100x128xf32, #tpu.memory_space<vmem>>
      %dma_wait3A_382 = tpu.memref_squeeze %dma_wait3A_381 : memref<1x100x128xf32, #tpu.memory_space<vmem>> -> memref<100x128xf32, #tpu.memory_space<vmem>>
      %dma_wait3A_383 = arith.constant 0 : i32
      %dma_wait3A_384 = tpu.memref_slice %arg8[%add3A_104, %dma_wait3A_378, %dma_wait3A_383] : memref<32x2x100xi32, #tpu.memory_space<vmem>> -> memref<1x1x100xi32, #tpu.memory_space<vmem>>
      %dma_wait3A_385 = tpu.memref_squeeze %dma_wait3A_384 : memref<1x1x100xi32, #tpu.memory_space<vmem>> -> memref<100xi32, #tpu.memory_space<vmem>>
      %dma_wait3A_386 = arith.constant 0 : i32
      %dma_wait3A_387 = arith.constant 0 : i32
      %dma_wait3A_388 = tpu.memref_slice %arg5[%add3A_105, %dma_wait3A_386, %dma_wait3A_387] : memref<1024x200x128xf32, #tpu.memory_space<hbm>> -> memref<1x200x128xf32, #tpu.memory_space<hbm>>
      %dma_wait3A_389 = tpu.memref_squeeze %dma_wait3A_388 : memref<1x200x128xf32, #tpu.memory_space<hbm>> -> memref<200x128xf32, #tpu.memory_space<hbm>>
      %dma_wait3A_390 = arith.constant 0 : i32
      %dma_wait3A_391 = arith.constant 0 : i32
      %dma_wait3A_392 = tpu.memref_slice %dma_wait3A_389[%dma_wait3A_390, %dma_wait3A_391] : memref<200x128xf32, #tpu.memory_space<hbm>> -> memref<200x128xf32, #tpu.memory_space<hbm>>
      tpu.wait_indirect_dma semaphore(%arg10 : memref<!tpu.dma_semaphore, #tpu.memory_space<semaphore_mem>>) src(%dma_wait3A_382 : memref<100x128xf32, #tpu.memory_space<vmem>>) dst(%dma_wait3A_392 : memref<200x128xf32, #tpu.memory_space<hbm>>)
      %dma_wait3A_393 = arith.constant 0 : i32
      %dma_wait3A_394 = arith.constant 0 : i32
      %dma_wait3A_395 = arith.constant 0 : i32
      %dma_wait3A_396 = arith.constant 0 : i32
      %dma_wait3A_397 = tpu.memref_slice %arg7[%dma_wait3A_393, %dma_wait3A_395, %dma_wait3A_396] : memref<2x100x128xf32, #tpu.memory_space<vmem>> -> memref<1x100x128xf32, #tpu.memory_space<vmem>>
      %dma_wait3A_398 = tpu.memref_squeeze %dma_wait3A_397 : memref<1x100x128xf32, #tpu.memory_space<vmem>> -> memref<100x128xf32, #tpu.memory_space<vmem>>
      %dma_wait3A_399 = arith.constant 0 : i32
      %dma_wait3A_400 = tpu.memref_slice %arg9[%add3A_104, %dma_wait3A_394, %dma_wait3A_399] : memref<32x2x100xi32, #tpu.memory_space<vmem>> -> memref<1x1x100xi32, #tpu.memory_space<vmem>>
      %dma_wait3A_401 = tpu.memref_squeeze %dma_wait3A_400 : memref<1x1x100xi32, #tpu.memory_space<vmem>> -> memref<100xi32, #tpu.memory_space<vmem>>
      %dma_wait3A_402 = arith.constant 0 : i32
      %dma_wait3A_403 = arith.constant 0 : i32
      %dma_wait3A_404 = tpu.memref_slice %arg6[%add3A_122, %dma_wait3A_402, %dma_wait3A_403] : memref<1024x200x128xf32, #tpu.memory_space<hbm>> -> memref<1x200x128xf32, #tpu.memory_space<hbm>>
      %dma_wait3A_405 = tpu.memref_squeeze %dma_wait3A_404 : memref<1x200x128xf32, #tpu.memory_space<hbm>> -> memref<200x128xf32, #tpu.memory_space<hbm>>
      %dma_wait3A_406 = arith.constant 0 : i32
      %dma_wait3A_407 = arith.constant 0 : i32
      %dma_wait3A_408 = tpu.memref_slice %dma_wait3A_405[%dma_wait3A_406, %dma_wait3A_407] : memref<200x128xf32, #tpu.memory_space<hbm>> -> memref<200x128xf32, #tpu.memory_space<hbm>>
      tpu.wait_indirect_dma semaphore(%arg10 : memref<!tpu.dma_semaphore, #tpu.memory_space<semaphore_mem>>) src(%dma_wait3A_398 : memref<100x128xf32, #tpu.memory_space<vmem>>) dst(%dma_wait3A_408 : memref<200x128xf32, #tpu.memory_space<hbm>>)
      %dma_wait3A_409 = arith.constant 1 : i32
      %dma_wait3A_410 = arith.constant 1 : i32
      %dma_wait3A_411 = arith.constant 0 : i32
      %dma_wait3A_412 = arith.constant 0 : i32
      %dma_wait3A_413 = tpu.memref_slice %arg7[%dma_wait3A_409, %dma_wait3A_411, %dma_wait3A_412] : memref<2x100x128xf32, #tpu.memory_space<vmem>> -> memref<1x100x128xf32, #tpu.memory_space<vmem>>
      %dma_wait3A_414 = tpu.memref_squeeze %dma_wait3A_413 : memref<1x100x128xf32, #tpu.memory_space<vmem>> -> memref<100x128xf32, #tpu.memory_space<vmem>>
      %dma_wait3A_415 = arith.constant 0 : i32
      %dma_wait3A_416 = tpu.memref_slice %arg8[%add3A_104, %dma_wait3A_410, %dma_wait3A_415] : memref<32x2x100xi32, #tpu.memory_space<vmem>> -> memref<1x1x100xi32, #tpu.memory_space<vmem>>
      %dma_wait3A_417 = tpu.memref_squeeze %dma_wait3A_416 : memref<1x1x100xi32, #tpu.memory_space<vmem>> -> memref<100xi32, #tpu.memory_space<vmem>>
      %dma_wait3A_418 = arith.constant 0 : i32
      %dma_wait3A_419 = arith.constant 0 : i32
      %dma_wait3A_420 = tpu.memref_slice %arg5[%add3A_139, %dma_wait3A_418, %dma_wait3A_419] : memref<1024x200x128xf32, #tpu.memory_space<hbm>> -> memref<1x200x128xf32, #tpu.memory_space<hbm>>
      %dma_wait3A_421 = tpu.memref_squeeze %dma_wait3A_420 : memref<1x200x128xf32, #tpu.memory_space<hbm>> -> memref<200x128xf32, #tpu.memory_space<hbm>>
      %dma_wait3A_422 = arith.constant 0 : i32
      %dma_wait3A_423 = arith.constant 0 : i32
      %dma_wait3A_424 = tpu.memref_slice %dma_wait3A_421[%dma_wait3A_422, %dma_wait3A_423] : memref<200x128xf32, #tpu.memory_space<hbm>> -> memref<200x128xf32, #tpu.memory_space<hbm>>
      tpu.wait_indirect_dma semaphore(%arg10 : memref<!tpu.dma_semaphore, #tpu.memory_space<semaphore_mem>>) src(%dma_wait3A_414 : memref<100x128xf32, #tpu.memory_space<vmem>>) dst(%dma_wait3A_424 : memref<200x128xf32, #tpu.memory_space<hbm>>)
      %dma_wait3A_425 = arith.constant 1 : i32
      %dma_wait3A_426 = arith.constant 1 : i32
      %dma_wait3A_427 = arith.constant 0 : i32
      %dma_wait3A_428 = arith.constant 0 : i32
      %dma_wait3A_429 = tpu.memref_slice %arg7[%dma_wait3A_425, %dma_wait3A_427, %dma_wait3A_428] : memref<2x100x128xf32, #tpu.memory_space<vmem>> -> memref<1x100x128xf32, #tpu.memory_space<vmem>>
      %dma_wait3A_430 = tpu.memref_squeeze %dma_wait3A_429 : memref<1x100x128xf32, #tpu.memory_space<vmem>> -> memref<100x128xf32, #tpu.memory_space<vmem>>
      %dma_wait3A_431 = arith.constant 0 : i32
      %dma_wait3A_432 = tpu.memref_slice %arg9[%add3A_104, %dma_wait3A_426, %dma_wait3A_431] : memref<32x2x100xi32, #tpu.memory_space<vmem>> -> memref<1x1x100xi32, #tpu.memory_space<vmem>>
      %dma_wait3A_433 = tpu.memref_squeeze %dma_wait3A_432 : memref<1x1x100xi32, #tpu.memory_space<vmem>> -> memref<100xi32, #tpu.memory_space<vmem>>
      %dma_wait3A_434 = arith.constant 0 : i32
      %dma_wait3A_435 = arith.constant 0 : i32
      %dma_wait3A_436 = tpu.memref_slice %arg6[%add3A_156, %dma_wait3A_434, %dma_wait3A_435] : memref<1024x200x128xf32, #tpu.memory_space<hbm>> -> memref<1x200x128xf32, #tpu.memory_space<hbm>>
      %dma_wait3A_437 = tpu.memref_squeeze %dma_wait3A_436 : memref<1x200x128xf32, #tpu.memory_space<hbm>> -> memref<200x128xf32, #tpu.memory_space<hbm>>
      %dma_wait3A_438 = arith.constant 0 : i32
      %dma_wait3A_439 = arith.constant 0 : i32
      %dma_wait3A_440 = tpu.memref_slice %dma_wait3A_437[%dma_wait3A_438, %dma_wait3A_439] : memref<200x128xf32, #tpu.memory_space<hbm>> -> memref<200x128xf32, #tpu.memory_space<hbm>>
      tpu.wait_indirect_dma semaphore(%arg10 : memref<!tpu.dma_semaphore, #tpu.memory_space<semaphore_mem>>) src(%dma_wait3A_430 : memref<100x128xf32, #tpu.memory_space<vmem>>) dst(%dma_wait3A_440 : memref<200x128xf32, #tpu.memory_space<hbm>>)
      %dma_wait3A_441 = arith.constant 0 : i32
      %dma_wait3A_442 = arith.constant 0 : i32
      %dma_wait3A_443 = arith.constant 0 : i32
      %dma_wait3A_444 = arith.constant 0 : i32
      %dma_wait3A_445 = tpu.memref_slice %arg7[%dma_wait3A_441, %dma_wait3A_443, %dma_wait3A_444] : memref<2x100x128xf32, #tpu.memory_space<vmem>> -> memref<1x100x128xf32, #tpu.memory_space<vmem>>
      %dma_wait3A_446 = tpu.memref_squeeze %dma_wait3A_445 : memref<1x100x128xf32, #tpu.memory_space<vmem>> -> memref<100x128xf32, #tpu.memory_space<vmem>>
      %dma_wait3A_447 = arith.constant 0 : i32
      %dma_wait3A_448 = tpu.memref_slice %arg8[%add3A_174, %dma_wait3A_442, %dma_wait3A_447] : memref<32x2x100xi32, #tpu.memory_space<vmem>> -> memref<1x1x100xi32, #tpu.memory_space<vmem>>
      %dma_wait3A_449 = tpu.memref_squeeze %dma_wait3A_448 : memref<1x1x100xi32, #tpu.memory_space<vmem>> -> memref<100xi32, #tpu.memory_space<vmem>>
      %dma_wait3A_450 = arith.constant 0 : i32
      %dma_wait3A_451 = arith.constant 0 : i32
      %dma_wait3A_452 = tpu.memref_slice %arg5[%add3A_175, %dma_wait3A_450, %dma_wait3A_451] : memref<1024x200x128xf32, #tpu.memory_space<hbm>> -> memref<1x200x128xf32, #tpu.memory_space<hbm>>
      %dma_wait3A_453 = tpu.memref_squeeze %dma_wait3A_452 : memref<1x200x128xf32, #tpu.memory_space<hbm>> -> memref<200x128xf32, #tpu.memory_space<hbm>>
      %dma_wait3A_454 = arith.constant 0 : i32
      %dma_wait3A_455 = arith.constant 0 : i32
      %dma_wait3A_456 = tpu.memref_slice %dma_wait3A_453[%dma_wait3A_454, %dma_wait3A_455] : memref<200x128xf32, #tpu.memory_space<hbm>> -> memref<200x128xf32, #tpu.memory_space<hbm>>
      tpu.wait_indirect_dma semaphore(%arg10 : memref<!tpu.dma_semaphore, #tpu.memory_space<semaphore_mem>>) src(%dma_wait3A_446 : memref<100x128xf32, #tpu.memory_space<vmem>>) dst(%dma_wait3A_456 : memref<200x128xf32, #tpu.memory_space<hbm>>)
      %dma_wait3A_457 = arith.constant 0 : i32
      %dma_wait3A_458 = arith.constant 0 : i32
      %dma_wait3A_459 = arith.constant 0 : i32
      %dma_wait3A_460 = arith.constant 0 : i32
      %dma_wait3A_461 = tpu.memref_slice %arg7[%dma_wait3A_457, %dma_wait3A_459, %dma_wait3A_460] : memref<2x100x128xf32, #tpu.memory_space<vmem>> -> memref<1x100x128xf32, #tpu.memory_space<vmem>>
      %dma_wait3A_462 = tpu.memref_squeeze %dma_wait3A_461 : memref<1x100x128xf32, #tpu.memory_space<vmem>> -> memref<100x128xf32, #tpu.memory_space<vmem>>
      %dma_wait3A_463 = arith.constant 0 : i32
      %dma_wait3A_464 = tpu.memref_slice %arg9[%add3A_174, %dma_wait3A_458, %dma_wait3A_463] : memref<32x2x100xi32, #tpu.memory_space<vmem>> -> memref<1x1x100xi32, #tpu.memory_space<vmem>>
      %dma_wait3A_465 = tpu.memref_squeeze %dma_wait3A_464 : memref<1x1x100xi32, #tpu.memory_space<vmem>> -> memref<100xi32, #tpu.memory_space<vmem>>
      %dma_wait3A_466 = arith.constant 0 : i32
      %dma_wait3A_467 = arith.constant 0 : i32
      %dma_wait3A_468 = tpu.memref_slice %arg6[%add3A_192, %dma_wait3A_466, %dma_wait3A_467] : memref<1024x200x128xf32, #tpu.memory_space<hbm>> -> memref<1x200x128xf32, #tpu.memory_space<hbm>>
      %dma_wait3A_469 = tpu.memref_squeeze %dma_wait3A_468 : memref<1x200x128xf32, #tpu.memory_space<hbm>> -> memref<200x128xf32, #tpu.memory_space<hbm>>
      %dma_wait3A_470 = arith.constant 0 : i32
      %dma_wait3A_471 = arith.constant 0 : i32
      %dma_wait3A_472 = tpu.memref_slice %dma_wait3A_469[%dma_wait3A_470, %dma_wait3A_471] : memref<200x128xf32, #tpu.memory_space<hbm>> -> memref<200x128xf32, #tpu.memory_space<hbm>>
      tpu.wait_indirect_dma semaphore(%arg10 : memref<!tpu.dma_semaphore, #tpu.memory_space<semaphore_mem>>) src(%dma_wait3A_462 : memref<100x128xf32, #tpu.memory_space<vmem>>) dst(%dma_wait3A_472 : memref<200x128xf32, #tpu.memory_space<hbm>>)
      %dma_wait3A_473 = arith.constant 1 : i32
      %dma_wait3A_474 = arith.constant 1 : i32
      %dma_wait3A_475 = arith.constant 0 : i32
      %dma_wait3A_476 = arith.constant 0 : i32
      %dma_wait3A_477 = tpu.memref_slice %arg7[%dma_wait3A_473, %dma_wait3A_475, %dma_wait3A_476] : memref<2x100x128xf32, #tpu.memory_space<vmem>> -> memref<1x100x128xf32, #tpu.memory_space<vmem>>
      %dma_wait3A_478 = tpu.memref_squeeze %dma_wait3A_477 : memref<1x100x128xf32, #tpu.memory_space<vmem>> -> memref<100x128xf32, #tpu.memory_space<vmem>>
      %dma_wait3A_479 = arith.constant 0 : i32
      %dma_wait3A_480 = tpu.memref_slice %arg8[%add3A_174, %dma_wait3A_474, %dma_wait3A_479] : memref<32x2x100xi32, #tpu.memory_space<vmem>> -> memref<1x1x100xi32, #tpu.memory_space<vmem>>
      %dma_wait3A_481 = tpu.memref_squeeze %dma_wait3A_480 : memref<1x1x100xi32, #tpu.memory_space<vmem>> -> memref<100xi32, #tpu.memory_space<vmem>>
      %dma_wait3A_482 = arith.constant 0 : i32
      %dma_wait3A_483 = arith.constant 0 : i32
      %dma_wait3A_484 = tpu.memref_slice %arg5[%add3A_209, %dma_wait3A_482, %dma_wait3A_483] : memref<1024x200x128xf32, #tpu.memory_space<hbm>> -> memref<1x200x128xf32, #tpu.memory_space<hbm>>
      %dma_wait3A_485 = tpu.memref_squeeze %dma_wait3A_484 : memref<1x200x128xf32, #tpu.memory_space<hbm>> -> memref<200x128xf32, #tpu.memory_space<hbm>>
      %dma_wait3A_486 = arith.constant 0 : i32
      %dma_wait3A_487 = arith.constant 0 : i32
      %dma_wait3A_488 = tpu.memref_slice %dma_wait3A_485[%dma_wait3A_486, %dma_wait3A_487] : memref<200x128xf32, #tpu.memory_space<hbm>> -> memref<200x128xf32, #tpu.memory_space<hbm>>
      tpu.wait_indirect_dma semaphore(%arg10 : memref<!tpu.dma_semaphore, #tpu.memory_space<semaphore_mem>>) src(%dma_wait3A_478 : memref<100x128xf32, #tpu.memory_space<vmem>>) dst(%dma_wait3A_488 : memref<200x128xf32, #tpu.memory_space<hbm>>)
      %dma_wait3A_489 = arith.constant 1 : i32
      %dma_wait3A_490 = arith.constant 1 : i32
      %dma_wait3A_491 = arith.constant 0 : i32
      %dma_wait3A_492 = arith.constant 0 : i32
      %dma_wait3A_493 = tpu.memref_slice %arg7[%dma_wait3A_489, %dma_wait3A_491, %dma_wait3A_492] : memref<2x100x128xf32, #tpu.memory_space<vmem>> -> memref<1x100x128xf32, #tpu.memory_space<vmem>>
      %dma_wait3A_494 = tpu.memref_squeeze %dma_wait3A_493 : memref<1x100x128xf32, #tpu.memory_space<vmem>> -> memref<100x128xf32, #tpu.memory_space<vmem>>
      %dma_wait3A_495 = arith.constant 0 : i32
      %dma_wait3A_496 = tpu.memref_slice %arg9[%add3A_174, %dma_wait3A_490, %dma_wait3A_495] : memref<32x2x100xi32, #tpu.memory_space<vmem>> -> memref<1x1x100xi32, #tpu.memory_space<vmem>>
      %dma_wait3A_497 = tpu.memref_squeeze %dma_wait3A_496 : memref<1x1x100xi32, #tpu.memory_space<vmem>> -> memref<100xi32, #tpu.memory_space<vmem>>
      %dma_wait3A_498 = arith.constant 0 : i32
      %dma_wait3A_499 = arith.constant 0 : i32
      %dma_wait3A_500 = tpu.memref_slice %arg6[%add3A_226, %dma_wait3A_498, %dma_wait3A_499] : memref<1024x200x128xf32, #tpu.memory_space<hbm>> -> memref<1x200x128xf32, #tpu.memory_space<hbm>>
      %dma_wait3A_501 = tpu.memref_squeeze %dma_wait3A_500 : memref<1x200x128xf32, #tpu.memory_space<hbm>> -> memref<200x128xf32, #tpu.memory_space<hbm>>
      %dma_wait3A_502 = arith.constant 0 : i32
      %dma_wait3A_503 = arith.constant 0 : i32
      %dma_wait3A_504 = tpu.memref_slice %dma_wait3A_501[%dma_wait3A_502, %dma_wait3A_503] : memref<200x128xf32, #tpu.memory_space<hbm>> -> memref<200x128xf32, #tpu.memory_space<hbm>>
      tpu.wait_indirect_dma semaphore(%arg10 : memref<!tpu.dma_semaphore, #tpu.memory_space<semaphore_mem>>) src(%dma_wait3A_494 : memref<100x128xf32, #tpu.memory_space<vmem>>) dst(%dma_wait3A_504 : memref<200x128xf32, #tpu.memory_space<hbm>>)
      %dma_wait3A_505 = arith.constant 0 : i32
      %dma_wait3A_506 = arith.constant 0 : i32
      %dma_wait3A_507 = arith.constant 0 : i32
      %dma_wait3A_508 = arith.constant 0 : i32
      %dma_wait3A_509 = tpu.memref_slice %arg7[%dma_wait3A_505, %dma_wait3A_507, %dma_wait3A_508] : memref<2x100x128xf32, #tpu.memory_space<vmem>> -> memref<1x100x128xf32, #tpu.memory_space<vmem>>
      %dma_wait3A_510 = tpu.memref_squeeze %dma_wait3A_509 : memref<1x100x128xf32, #tpu.memory_space<vmem>> -> memref<100x128xf32, #tpu.memory_space<vmem>>
      %dma_wait3A_511 = arith.constant 0 : i32
      %dma_wait3A_512 = tpu.memref_slice %arg8[%add3A_244, %dma_wait3A_506, %dma_wait3A_511] : memref<32x2x100xi32, #tpu.memory_space<vmem>> -> memref<1x1x100xi32, #tpu.memory_space<vmem>>
      %dma_wait3A_513 = tpu.memref_squeeze %dma_wait3A_512 : memref<1x1x100xi32, #tpu.memory_space<vmem>> -> memref<100xi32, #tpu.memory_space<vmem>>
      %dma_wait3A_514 = arith.constant 0 : i32
      %dma_wait3A_515 = arith.constant 0 : i32
      %dma_wait3A_516 = tpu.memref_slice %arg5[%add3A_245, %dma_wait3A_514, %dma_wait3A_515] : memref<1024x200x128xf32, #tpu.memory_space<hbm>> -> memref<1x200x128xf32, #tpu.memory_space<hbm>>
      %dma_wait3A_517 = tpu.memref_squeeze %dma_wait3A_516 : memref<1x200x128xf32, #tpu.memory_space<hbm>> -> memref<200x128xf32, #tpu.memory_space<hbm>>
      %dma_wait3A_518 = arith.constant 0 : i32
      %dma_wait3A_519 = arith.constant 0 : i32
      %dma_wait3A_520 = tpu.memref_slice %dma_wait3A_517[%dma_wait3A_518, %dma_wait3A_519] : memref<200x128xf32, #tpu.memory_space<hbm>> -> memref<200x128xf32, #tpu.memory_space<hbm>>
      tpu.wait_indirect_dma semaphore(%arg10 : memref<!tpu.dma_semaphore, #tpu.memory_space<semaphore_mem>>) src(%dma_wait3A_510 : memref<100x128xf32, #tpu.memory_space<vmem>>) dst(%dma_wait3A_520 : memref<200x128xf32, #tpu.memory_space<hbm>>)
      %dma_wait3A_521 = arith.constant 0 : i32
      %dma_wait3A_522 = arith.constant 0 : i32
      %dma_wait3A_523 = arith.constant 0 : i32
      %dma_wait3A_524 = arith.constant 0 : i32
      %dma_wait3A_525 = tpu.memref_slice %arg7[%dma_wait3A_521, %dma_wait3A_523, %dma_wait3A_524] : memref<2x100x128xf32, #tpu.memory_space<vmem>> -> memref<1x100x128xf32, #tpu.memory_space<vmem>>
      %dma_wait3A_526 = tpu.memref_squeeze %dma_wait3A_525 : memref<1x100x128xf32, #tpu.memory_space<vmem>> -> memref<100x128xf32, #tpu.memory_space<vmem>>
      %dma_wait3A_527 = arith.constant 0 : i32
      %dma_wait3A_528 = tpu.memref_slice %arg9[%add3A_244, %dma_wait3A_522, %dma_wait3A_527] : memref<32x2x100xi32, #tpu.memory_space<vmem>> -> memref<1x1x100xi32, #tpu.memory_space<vmem>>
      %dma_wait3A_529 = tpu.memref_squeeze %dma_wait3A_528 : memref<1x1x100xi32, #tpu.memory_space<vmem>> -> memref<100xi32, #tpu.memory_space<vmem>>
      %dma_wait3A_530 = arith.constant 0 : i32
      %dma_wait3A_531 = arith.constant 0 : i32
      %dma_wait3A_532 = tpu.memref_slice %arg6[%add3A_262, %dma_wait3A_530, %dma_wait3A_531] : memref<1024x200x128xf32, #tpu.memory_space<hbm>> -> memref<1x200x128xf32, #tpu.memory_space<hbm>>
      %dma_wait3A_533 = tpu.memref_squeeze %dma_wait3A_532 : memref<1x200x128xf32, #tpu.memory_space<hbm>> -> memref<200x128xf32, #tpu.memory_space<hbm>>
      %dma_wait3A_534 = arith.constant 0 : i32
      %dma_wait3A_535 = arith.constant 0 : i32
      %dma_wait3A_536 = tpu.memref_slice %dma_wait3A_533[%dma_wait3A_534, %dma_wait3A_535] : memref<200x128xf32, #tpu.memory_space<hbm>> -> memref<200x128xf32, #tpu.memory_space<hbm>>
      tpu.wait_indirect_dma semaphore(%arg10 : memref<!tpu.dma_semaphore, #tpu.memory_space<semaphore_mem>>) src(%dma_wait3A_526 : memref<100x128xf32, #tpu.memory_space<vmem>>) dst(%dma_wait3A_536 : memref<200x128xf32, #tpu.memory_space<hbm>>)
      %dma_wait3A_537 = arith.constant 1 : i32
      %dma_wait3A_538 = arith.constant 1 : i32
      %dma_wait3A_539 = arith.constant 0 : i32
      %dma_wait3A_540 = arith.constant 0 : i32
      %dma_wait3A_541 = tpu.memref_slice %arg7[%dma_wait3A_537, %dma_wait3A_539, %dma_wait3A_540] : memref<2x100x128xf32, #tpu.memory_space<vmem>> -> memref<1x100x128xf32, #tpu.memory_space<vmem>>
      %dma_wait3A_542 = tpu.memref_squeeze %dma_wait3A_541 : memref<1x100x128xf32, #tpu.memory_space<vmem>> -> memref<100x128xf32, #tpu.memory_space<vmem>>
      %dma_wait3A_543 = arith.constant 0 : i32
      %dma_wait3A_544 = tpu.memref_slice %arg8[%add3A_244, %dma_wait3A_538, %dma_wait3A_543] : memref<32x2x100xi32, #tpu.memory_space<vmem>> -> memref<1x1x100xi32, #tpu.memory_space<vmem>>
      %dma_wait3A_545 = tpu.memref_squeeze %dma_wait3A_544 : memref<1x1x100xi32, #tpu.memory_space<vmem>> -> memref<100xi32, #tpu.memory_space<vmem>>
      %dma_wait3A_546 = arith.constant 0 : i32
      %dma_wait3A_547 = arith.constant 0 : i32
      %dma_wait3A_548 = tpu.memref_slice %arg5[%add3A_279, %dma_wait3A_546, %dma_wait3A_547] : memref<1024x200x128xf32, #tpu.memory_space<hbm>> -> memref<1x200x128xf32, #tpu.memory_space<hbm>>
      %dma_wait3A_549 = tpu.memref_squeeze %dma_wait3A_548 : memref<1x200x128xf32, #tpu.memory_space<hbm>> -> memref<200x128xf32, #tpu.memory_space<hbm>>
      %dma_wait3A_550 = arith.constant 0 : i32
      %dma_wait3A_551 = arith.constant 0 : i32
      %dma_wait3A_552 = tpu.memref_slice %dma_wait3A_549[%dma_wait3A_550, %dma_wait3A_551] : memref<200x128xf32, #tpu.memory_space<hbm>> -> memref<200x128xf32, #tpu.memory_space<hbm>>
      tpu.wait_indirect_dma semaphore(%arg10 : memref<!tpu.dma_semaphore, #tpu.memory_space<semaphore_mem>>) src(%dma_wait3A_542 : memref<100x128xf32, #tpu.memory_space<vmem>>) dst(%dma_wait3A_552 : memref<200x128xf32, #tpu.memory_space<hbm>>)
      %dma_wait3A_553 = arith.constant 1 : i32
      %dma_wait3A_554 = arith.constant 1 : i32
      %dma_wait3A_555 = arith.constant 0 : i32
      %dma_wait3A_556 = arith.constant 0 : i32
      %dma_wait3A_557 = tpu.memref_slice %arg7[%dma_wait3A_553, %dma_wait3A_555, %dma_wait3A_556] : memref<2x100x128xf32, #tpu.memory_space<vmem>> -> memref<1x100x128xf32, #tpu.memory_space<vmem>>
      %dma_wait3A_558 = tpu.memref_squeeze %dma_wait3A_557 : memref<1x100x128xf32, #tpu.memory_space<vmem>> -> memref<100x128xf32, #tpu.memory_space<vmem>>
      %dma_wait3A_559 = arith.constant 0 : i32
      %dma_wait3A_560 = tpu.memref_slice %arg9[%add3A_244, %dma_wait3A_554, %dma_wait3A_559] : memref<32x2x100xi32, #tpu.memory_space<vmem>> -> memref<1x1x100xi32, #tpu.memory_space<vmem>>
      %dma_wait3A_561 = tpu.memref_squeeze %dma_wait3A_560 : memref<1x1x100xi32, #tpu.memory_space<vmem>> -> memref<100xi32, #tpu.memory_space<vmem>>
      %dma_wait3A_562 = arith.constant 0 : i32
      %dma_wait3A_563 = arith.constant 0 : i32
      %dma_wait3A_564 = tpu.memref_slice %arg6[%add3A_296, %dma_wait3A_562, %dma_wait3A_563] : memref<1024x200x128xf32, #tpu.memory_space<hbm>> -> memref<1x200x128xf32, #tpu.memory_space<hbm>>
      %dma_wait3A_565 = tpu.memref_squeeze %dma_wait3A_564 : memref<1x200x128xf32, #tpu.memory_space<hbm>> -> memref<200x128xf32, #tpu.memory_space<hbm>>
      %dma_wait3A_566 = arith.constant 0 : i32
      %dma_wait3A_567 = arith.constant 0 : i32
      %dma_wait3A_568 = tpu.memref_slice %dma_wait3A_565[%dma_wait3A_566, %dma_wait3A_567] : memref<200x128xf32, #tpu.memory_space<hbm>> -> memref<200x128xf32, #tpu.memory_space<hbm>>
      tpu.wait_indirect_dma semaphore(%arg10 : memref<!tpu.dma_semaphore, #tpu.memory_space<semaphore_mem>>) src(%dma_wait3A_558 : memref<100x128xf32, #tpu.memory_space<vmem>>) dst(%dma_wait3A_568 : memref<200x128xf32, #tpu.memory_space<hbm>>)
    }
    %scan3A_29 = arith.constant 8 : i32
    return
  }
}

</mosaic_0001>

<sc_bundles>
// kernel: kernel.3.cloned.1.call-start
scs
__scs_entry_jumppad:
0x0: {  	(pc) =	sbr.rel $0x88, $3  }
0x1: {  	(tag) =	ssettag $0x0;
	lr =	simm.s32 $0x1  }
0x2: {  	[smem:$0x3F9F] =	sst lr;
	_ =	strace $0xD0000000  }
0x3: {  	_ = 	snop  }
0x4: {  	_ = 	snop  }
0x5: {  	_ = 	snop  }
0x6: {  	_ = 	snop  }
0x7: {  	_ = 	snop  }
__scs_overlays_trampoline_lowered:
0x8: {  	[smem:$0x3FAE] =	sst s0  }
0x9: {  	[smem:$0x3FAF] =	sst s1  }
0xa: {  	[smem:$0x3FB0] =	sst s2  }
0xb: {  	[smem:$0x3FB1] =	sst s3  }
0xc: {  	[smem:$0x3FB2] =	sst s4  }
0xd: {  	[smem:$0x3FB3] =	sst s5  }
0xe: {  	[smem:$0x3FB4] =	sst s6  }
0xf: {  	[smem:$0x3FB5] =	sst s7  }
0x10: {  	[smem:$0x3FB6] =	sst s8  }
0x11: {  	[smem:$0x3FB7] =	sst s9;
	s0 =	simm.s32 @!p0 $0x0  }
0x12: {  	s1 =	sld [smem:$0x3F9D];
	s0 =	simm.s32 @p0 $0x1  }
0x13: {  	[smem:$0x3FB8] =	sst s0;
	s0 =	simm.s32 @!p1 $0x0  }
0x14: {  	s2 =	sld [smem:$0x3F9C];
	s0 =	simm.s32 @p1 $0x1  }
0x15: {  	[smem:$0x3FB9] =	sst s0;
	s0 =	simm.s32 @!p2 $0x0  }
0x16: {  	s3 =	sld [smem:$0x3FDB];
	s0 =	simm.s32 @p2 $0x1  }
0x17: {  	s4 =	simm.s32 $0x1BF5;
	[smem:$0x3FBB] =	sst s0  }
0x18: {  	s0 =	sld [smem:$0x3F9E];
	_ =	swait.ge [sflag:s4], $0x0  }
0x19: {  	s7 =	sld [smem:$0x3F9F]  }
0x1a: {  	s8 =	sadd.s32 $0xFFFFE003, lr  }
0x1b: {  	s9 =	sadd.s32 $0xFFFFFEF7, lr;
	s5 =	simm.s32 $0xFFFFFFFF;
	p2 =	slt.u32 s8, $0xFFFFF086  }
0x1c: {  	p1 =	slt.u32 s9, $0xF7A;
	s5 =	simm.s32 @!p2 $0x0  }
0x1d: {  	s5 =	simm.s32 @p1 $0x1;
	p0 =	seq.s32 s7, s2  }
0x1e: {  	s7 =	smul.u32 @!p0 $0xF7A, s2;
	p2 =	seq.s32 @!p0 s5, $0x0  }
0x1f: {  	s9 =	smul.u32 $0xF7A, s1;
	s8 =	simm.s32 @!p0 $0x1BF5;
	p2 =	por !p2, p0  }
0x20: {  	[sflag:s8] =	ssyncset.s32 @!p0 $0xFFFFF086;
	s6 =	sadd.s32 @!p0 s3, s7;
	s7 =	simm.s32 @!p0 $0x108  }
0x21: {  	s3 =	sadd.s32 s3, s9;
	s6 =	sadd.s32 @!p0 $0x88, s6;
	s7 =	simm.s32 @p2 $0x1082  }
0x22: {  	[simem:s7], [sflag:s8] =	dma.local @!p0 [hbm:s6], $0xF7A  }
0x23: {  	s9 =	sor.u32 $0xD0000000, s2;
	s6 =	simm.s32 $0x108;
	_ =	swait.ge @!p0 [sflag:s8], $0x0  }
0x24: {  	s3 =	sadd.s32 $0x88, s3;
	s6 =	simm.s32 @!p1 $0x1082;
	[sflag:s4] =	ssyncset.s32 $0xFFFFF086  }
0x25: {  	[simem:s6], [sflag:s4] =	dma.local [hbm:s3], $0xF7A  }
0x26: {  	[smem:$0x3F9F] =	sst s1;
	(tag) =	ssettag s2;
	_ =	strace s9  }
0x27: {  	s1 =	sld [smem:$0x3FAF]  }
0x28: {  	s2 =	sld [smem:$0x3FB0]  }
0x29: {  	s4 =	sld [smem:$0x3FB2]  }
0x2a: {  	p0 =	seq.s32 s5, $0x0;
	s5 =	sld [smem:$0x3FB3]  }
0x2b: {  	s6 =	sld [smem:$0x3FB4]  }
0x2c: {  	s7 =	sld [smem:$0x3FB5]  }
0x2d: {  	s3 =	simm.s32 $0x108;
	s8 =	sld [smem:$0x3FB6]  }
0x2e: {  	s3 =	simm.s32 @!p0 $0x1082;
	s9 =	sld [smem:$0x3FB7]  }
0x2f: {  	lr =	sadd.s32 s0, s3;
	s0 =	sld [smem:$0x3FAE]  }
0x30: {  	s3 =	sld [smem:$0x3FB1]  }
0x31: {  	[smem:$0x3FBA] =	sst s10  }
0x32: {  	s10 =	sld [smem:$0x3FB8];
	_ =	sdelay $0x3  }
0x33: {  	p0 =	seq.s32 s10, $0x1;
	s10 =	sld [smem:$0x3FBA];
	_ =	sdelay $0x3  }
0x34: {  	[smem:$0x3FBA] =	sst s10  }
0x35: {  	s10 =	sld [smem:$0x3FB9];
	_ =	sdelay $0x3  }
0x36: {  	p1 =	seq.s32 s10, $0x1;
	s10 =	sld [smem:$0x3FBA];
	_ =	sdelay $0x3  }
0x37: {  	[smem:$0x3FBA] =	sst s10  }
0x38: {  	s10 =	sld [smem:$0x3FBB]  }
0x39: {  	_ = 	snop;
	(pc) =	sbr.ind lr, $3  }
0x3a: {  	_ = 	snop  }
0x3b: {  	_ = 	snop  }
0x3c: {  	p2 =	seq.s32 s10, $0x1;
	s10 =	sld [smem:$0x3FBA]  }
0x3d: {  	_ =	shalt  }
0x3e: {  	_ =	shalt  }
0x3f: {  	_ =	shalt  }
0x40: {  	_ =	shalt  }
0x41: {  	_ =	shalt  }
0x42: {  	_ =	shalt  }
0x43: {  	_ =	shalt  }
0x44: {  	_ =	shalt  }
0x45: {  	_ =	shalt  }
0x46: {  	_ =	shalt  }
0x47: {  	_ =	shalt  }
0x48: {  	_ =	shalt  }
0x49: {  	_ =	shalt  }
0x4a: {  	_ =	shalt  }
0x4b: {  	_ =	shalt  }
0x4c: {  	_ =	shalt  }
0x4d: {  	_ =	shalt  }
0x4e: {  	_ =	shalt  }
0x4f: {  	_ =	shalt  }
0x50: {  	_ =	shalt  }
0x51: {  	_ =	shalt  }
0x52: {  	_ =	shalt  }
0x53: {  	_ =	shalt  }
0x54: {  	_ =	shalt  }
0x55: {  	_ =	shalt  }
0x56: {  	_ =	shalt  }
0x57: {  	_ =	shalt  }
0x58: {  	_ =	shalt  }
0x59: {  	_ =	shalt  }
0x5a: {  	_ =	shalt  }
0x5b: {  	_ =	shalt  }
0x5c: {  	_ =	shalt  }
0x5d: {  	_ =	shalt  }
0x5e: {  	_ =	shalt  }
0x5f: {  	_ =	shalt  }
0x60: {  	_ =	shalt  }
0x61: {  	_ =	shalt  }
0x62: {  	_ =	shalt  }
0x63: {  	_ =	shalt  }
0x64: {  	_ =	shalt  }
0x65: {  	_ =	shalt  }
0x66: {  	_ =	shalt  }
0x67: {  	_ =	shalt  }
0x68: {  	_ =	shalt  }
0x69: {  	_ =	shalt  }
0x6a: {  	_ =	shalt  }
0x6b: {  	_ =	shalt  }
0x6c: {  	_ =	shalt  }
0x6d: {  	_ =	shalt  }
0x6e: {  	_ =	shalt  }
0x6f: {  	_ =	shalt  }
0x70: {  	_ =	shalt  }
0x71: {  	_ =	shalt  }
0x72: {  	_ =	shalt  }
0x73: {  	_ =	shalt  }
0x74: {  	_ =	shalt  }
0x75: {  	_ =	shalt  }
0x76: {  	_ =	shalt  }
0x77: {  	_ =	shalt  }
0x78: {  	_ =	shalt  }
0x79: {  	_ =	shalt  }
0x7a: {  	_ =	shalt  }
0x7b: {  	_ =	shalt  }
0x7c: {  	_ =	shalt  }
0x7d: {  	_ =	shalt  }
0x7e: {  	_ =	shalt  }
0x7f: {  	_ =	shalt  }
0x80: {  	_ =	shalt  }
0x81: {  	_ =	shalt  }
0x82: {  	_ =	shalt  }
0x83: {  	_ =	shalt  }
0x84: {  	_ =	shalt  }
0x85: {  	_ =	shalt  }
0x86: {  	_ =	shalt  }
0x87: {  	_ =	shalt  }
.Lfunc_end0:
.L_simem_size_0:
called_computation_lowered:
.L_overlay_start_0:
0x88: {  	s2 =	sld [smem:$0x3FD9]  }
0x89: {  	s3 =	sld [smem:$0x3FFE];
	_ =	sdelay $0x1  }
0x8a: {  	s1 =	srdreg.scid  }
0x8b: {  	s0 =	sand.u32 $0x1, s1  }
0x8c: {  	s14 =	sshll.u32 s0, $0xA;
	s2 =	sadd.s32 s3, s2  }
0x8d: {  	s2 =	sadd.s32 s2, s14  }
0x8e: {  	[smem:$0x3FC6] =	sst s2  }
0x8f: {  	_ = 	snop  }
0x90: {  	s2 =	sld [smem:$0x3FD0];
	_ =	sdelay $0x2  }
0x91: {  	s15 =	simm.s32 $0xA;
	s4 =	simm.s32 $0x10  }
0x92: {  	[smem:s4], [sflag:s15] =	dma.local [hbm:s2], $0x1  }
0x93: {  	_ =	swait.eq [sflag:s15], $0x1  }
0x94: {  	[sflag:s15] =	ssyncset.done $0x0  }
0x95: {  	s16 =	sld [smem:$0x10];
	[sflag:s15] =	ssyncadd.s32 $0xFFFFFFFF  }
0x96: {  	s17 =	sld [smem:$0x11];
	(tm) =	ssettm $0x1  }
0x97: {  	s18 =	sld [smem:$0x3FFB];
	_ =	sdelay $0x3  }
0x98: {  	_ =	strace s18  }
0x99: {  	s4 =	sld [smem:$0x3FFC];
	_ =	sdelay $0x3  }
0x9a: {  	_ =	strace s4  }
0x9b: {  	s4 =	sld [smem:$0x3FFD];
	_ =	sdelay $0x3  }
0x9c: {  	_ =	strace s4  }
0x9d: {  	_ =	strace $0x8FFFFFFF  }
0x9e: {  	s19 =	sld [smem:$0x3FDB];
	_ =	sdelay $0x1  }
0x9f: {  	s5 =	simm.s32 $_scs_section_size  }
0xa0: {  	s6 =	simm.s32 $_size__tile_overlayer_lowered;
	s7 =	simm.s32 $_tile_overlayer_lowered  }
0xa1: {  	s22 =	simm.s32 $0x1BFF;
	s21 =	sshll.u32 s7, $0x1;
	s4 =	sadd.s32 s5, s19  }
0xa2: {  	s8 =	simm.s32 $0x0;
	s20 =	sshll.u32 s6, $0x1;
	s6 =	sadd.s32 s21, s4  }
0xa3: {  	[timem:s8], [sflag:s22] =	dma.local [hbm:s6], s20  }
0xa4: {  	_ =	swait.ge [sflag:s22], s20  }
0xa5: {  	s5 =	ssub.s32 $0x0, s20;
	[sflag:s22] =	ssyncset.done $0x0  }
0xa6: {  	[sflag:s22] =	ssyncadd.s32 s5;
	_ =	sdelay $0x1  }
0xa7: {  	s23 =	simm.s32 $0x1B8B  }
0xa8: {  	_ =	swait.ge [sflag:s23], $0x1  }
0xa9: {  	[sflag:s23] =	ssyncset.done $0x0  }
0xaa: {  	s25 =	simm.s32 $0x1B8E;
	s24 =	sld [smem:$0x3FFE];
	[sflag:s23] =	ssyncadd.s32 $0xFFFFFFFF  }
0xab: {  	s26 =	simm.s32 $execute0_lowered;
	[smem:$0x3FD2] =	sst s25  }
0xac: {  	s6 =	sshll.u32 s26, $0x1;
	_ =	strace $0x80000046;
	[dreg:$0x1] =	wrdreg $0xFFFFFFFF  }
0xad: {  	s28 =	simm.s32 $_size_execute0_lowered;
	s4 =	sadd.s32 s4, s6;
	[dreg:$0x0] =	wrdreg $0x0  }
0xae: {  	s6 =	sshll.u32 s28, $0x1;
	[dreg:$0x2] =	wrdreg s4  }
0xaf: {  	[dreg:$0x3] =	wrdreg s6  }
0xb0: {  	[dreg:$0x4] =	wrdreg $0xC0  }
0xb1: {  	_ =	task [dreg:s8], $0x5FFFF  }
0xb2: {  	[dreg:$0x1] =	wrdreg $0xFFFFFFFF  }
0xb3: {  	[dreg:$0x0] =	wrdreg $0x60  }
0xb4: {  	[dreg:$0x2] =	wrdreg s24  }
0xb5: {  	[dreg:$0x3] =	wrdreg s16  }
0xb6: {  	[dreg:$0x4] =	wrdreg s17  }
0xb7: {  	[dreg:$0x5] =	wrdreg $0x9  }
0xb8: {  	_ =	task.clear_ibuf [dreg:s8], $0x6FFFF;
	_ =	strace $0x90000046  }
0xb9: {  	s29 =	simm.s32 $0x9;
	_ =	strace $0x80000048  }
0xba: {  	_ =	swait.ge [sflag:s29], $0x1  }
0xbb: {  	[sflag:s29] =	ssyncadd.s32 $0xFFFFFFFF  }
0xbc: {  	_ =	strace $0x90000048  }
0xbd: {  	_ =	sfence  }
0xbe: {  	s30 =	sld [smem:$0x0];
	_ =	sdelay $0x2  }
0xbf: {  	s31 =	sshll.u32 s1, $0xD;
	s1 =	sshrl.u32 s1, $0x2  }
0xc0: {  	s3 =	sand.u32 $0x4000, s31;
	s1 =	sadd.s32 s1, s30  }
0xc1: {  	s0 =	sor.u32 s3, s0;
	s1 =	sshll.u32 s1, $0x11  }
0xc2: {  	s0 =	sor.u32 s1, s0  }
0xc3: {  	s0 =	sadd.s32 $0x8F2B, s0  }
0xc4: {  	[sflag:s0] =	ssyncadd.remote.s32 $0x1  }
0xc5: {  	_ =	sfence.sel $0xFFFF  }
0xc6: {  	[dreg:$0x0] =	wrdreg $0xFFFFFFFF;
	(pc) =	sbr.abs _section_cstart, $3  }
0xc7: {  	[dreg:$0x1] =	wrdreg $0xFFFFFFFF  }
0xc8: {  	_ =	task.clear_ibuf [dreg:s8], $0x2FFFF;
	_ =	strace $0x9FFFFFFF  }
0xc9: {  	(tm) =	ssettm $0x7FFFFFFF  }
tec
execute0_lowered:
.L_overlay_start_1:
0x0: {  	(tag) =	ssettag $0x1  }
0x1: {  	s7 =	rddreg [dreg:$0x0]  }
0x2: {  	s9 =	rddreg [dreg:$0x1]  }
0x3: {  	s10 =	rddreg [dreg:$0x2]  }
0x4: {  	s0 =	rddreg [dreg:$0x3];
	s3 =	srdreg.scid  }
0x5: {  	s2 =	simm.s32 $0x0;
	s1 =	stileid.u32;
	s13 =	simm.s32 $0x8800  }
0x6: {  	s14 =	simm.s32 $0x1;
	s15 =	simm.s32 $0x64;
	s16 =	simm.s32 $0x0  }
0x7: {  	s8 =	sand.u32 $0x1, s3;
	[smem:$0x7FF] =	sst s2;
	s30 =	sshll.u32 s1, $0xB  }
0x8: {  	s3 =	sadd.s32 $0x10600, s7;
	s12 =	smul.u32 $0x32000, s1;
	s4 =	sshll.u32 s8, $0xA  }
0x9: {  	_ =	strace $0x80000047;
	s5 =	ssub.s32 $0x2, s8;
	s8 =	smul.u32 $0x19000, s8  }
0xa: {  	s4 =	sor.u32 s4, s30;
	s31 =	sshrl.u32 s5, $0x1;
	s9 =	sadd.s32 s12, s9  }
0xb: {  	s10 =	sadd.s32 s12, s10;
	s12 =	simm.s32 $0x6800;
	s6 =	sadd.s32 s4, s7  }
0xc: {  	s11 =	ssub.s32 s5, s31;
	s7 =	sadd.s32 $0x10C80, s7;
	s4 =	sadd.s32 $0x600, s6  }
0xd: {  	s5 =	sadd.s32 $0x8600, s6;
	s6 =	smax.u32 s11, $0x1;
	s11 =	simm.s32 $0x3400  }
.LBB2_1:
0xe: {  	[tilespmem:s2], [sflag:$0x1] =	stream.linear.gather [hbm4b:s3+s2], $0x3200, $0x38;
	[tilespmem:$0xA800] =	vst v63  }
0xf: {  	_ = 	snop  }
0x10: {  	[tilespmem:s11], [sflag:$0x1] =	stream.linear.gather [hbm4b:s7+s2], $0x3200, $0x38;
	[tilespmem:$0xA800] =	vst v63  }
0x11: {  	_ = 	snop  }
0x12: {  	[tilespmem:s12], [sflag:$0x1] =	stream.linear.gather [hbm4b:s4+s2], $0x2000, $0x38;
	[tilespmem:$0xA800] =	vst v63  }
0x13: {  	_ = 	snop  }
0x14: {  	[tilespmem:s13], [sflag:$0x1] =	stream.linear.gather [hbm4b:s5+s2], $0x2000, $0x38;
	[tilespmem:$0xA800] =	vst v63  }
0x15: {  	_ =	swait.ge [sflag:s14], $0x6400  }
0x16: {  	[sflag:s14] =	ssyncset.done $0x0  }
0x17: {  	[sflag:s14] =	ssyncadd.s32 $0xFFFF9C00  }
0x18: {  	_ =	swait.ge [sflag:s14], $0x2000  }
0x19: {  	[sflag:s14] =	ssyncset.done $0x0  }
0x1a: {  	[sflag:s14] =	ssyncadd.s32 $0xFFFFE000  }
0x1b: {  	_ =	swait.ge [sflag:s14], $0x2000  }
0x1c: {  	[sflag:s14] =	ssyncset.done $0x0  }
0x1d: {  	s17 =	sadd.s32 s9, s8;
	s18 =	simm.s32 $0x6800;
	[sflag:s14] =	ssyncadd.s32 $0xFFFFE000  }
0x1e: {  	[hbm4b:s17+s15] =	stream.indirect.scatter [tilespmem:s2], [sflag:$0x1], $0x80, s18, s15, $0xb8;
	[tilespmem:$0xA800] =	vst v63  }
0x1f: {  	s24 =	simm.s32 $0x8800;
	s19 =	sadd.s32 s10, s8  }
0x20: {  	[hbm4b:s19+s15] =	stream.indirect.scatter [tilespmem:s2], [sflag:$0x1], $0x80, s24, s15, $0xb8;
	[tilespmem:$0xA800] =	vst v63  }
0x21: {  	s25 =	simm.s32 $0x6880  }
0x22: {  	[hbm4b:s17+s15] =	stream.indirect.scatter [tilespmem:s11], [sflag:$0x1], $0x80, s25, s15, $0xb8;
	[tilespmem:$0xA800] =	vst v63  }
0x23: {  	s26 =	simm.s32 $0x8880  }
0x24: {  	[hbm4b:s19+s15] =	stream.indirect.scatter [tilespmem:s11], [sflag:$0x1], $0x80, s26, s15, $0xb8;
	[tilespmem:$0xA800] =	vst v63  }
0x25: {  	s28 =	simm.s32 $0x6900;
	s20 =	sadd.s32 $0xC80, s17  }
0x26: {  	[hbm4b:s20+s15] =	stream.indirect.scatter [tilespmem:s2], [sflag:$0x1], $0x80, s28, s15, $0xb8;
	[tilespmem:$0xA800] =	vst v63  }
0x27: {  	s29 =	simm.s32 $0x8900;
	s21 =	sadd.s32 $0xC80, s19  }
0x28: {  	[hbm4b:s21+s15] =	stream.indirect.scatter [tilespmem:s2], [sflag:$0x1], $0x80, s29, s15, $0xb8;
	[tilespmem:$0xA800] =	vst v63  }
0x29: {  	s30 =	simm.s32 $0x6980  }
0x2a: {  	[hbm4b:s20+s15] =	stream.indirect.scatter [tilespmem:s11], [sflag:$0x1], $0x80, s30, s15, $0xb8;
	[tilespmem:$0xA800] =	vst v63  }
0x2b: {  	s31 =	simm.s32 $0x8980  }
0x2c: {  	[hbm4b:s21+s15] =	stream.indirect.scatter [tilespmem:s11], [sflag:$0x1], $0x80, s31, s15, $0xb8;
	[tilespmem:$0xA800] =	vst v63  }
0x2d: {  	s20 =	simm.s32 $0x6A00;
	s21 =	sadd.s32 $0x1900, s17  }
0x2e: {  	[hbm4b:s21+s15] =	stream.indirect.scatter [tilespmem:s2], [sflag:$0x1], $0x80, s20, s15, $0xb8;
	[tilespmem:$0xA800] =	vst v63  }
0x2f: {  	s22 =	simm.s32 $0x8A00;
	s23 =	sadd.s32 $0x1900, s19  }
0x30: {  	[hbm4b:s23+s15] =	stream.indirect.scatter [tilespmem:s2], [sflag:$0x1], $0x80, s22, s15, $0xb8;
	[tilespmem:$0xA800] =	vst v63  }
0x31: {  	s24 =	simm.s32 $0x6A80  }
0x32: {  	[hbm4b:s21+s15] =	stream.indirect.scatter [tilespmem:s11], [sflag:$0x1], $0x80, s24, s15, $0xb8;
	[tilespmem:$0xA800] =	vst v63  }
0x33: {  	s25 =	simm.s32 $0x8A80  }
0x34: {  	[hbm4b:s23+s15] =	stream.indirect.scatter [tilespmem:s11], [sflag:$0x1], $0x80, s25, s15, $0xb8;
	[tilespmem:$0xA800] =	vst v63  }
0x35: {  	s26 =	simm.s32 $0x6B00;
	s17 =	sadd.s32 $0x2580, s17  }
0x36: {  	[hbm4b:s17+s15] =	stream.indirect.scatter [tilespmem:s2], [sflag:$0x1], $0x80, s26, s15, $0xb8;
	[tilespmem:$0xA800] =	vst v63  }
0x37: {  	s19 =	sadd.s32 $0x2580, s19;
	s28 =	simm.s32 $0x8B00  }
0x38: {  	[hbm4b:s19+s15] =	stream.indirect.scatter [tilespmem:s2], [sflag:$0x1], $0x80, s28, s15, $0xb8;
	[tilespmem:$0xA800] =	vst v63  }
0x39: {  	s29 =	simm.s32 $0x6B80  }
0x3a: {  	[hbm4b:s17+s15] =	stream.indirect.scatter [tilespmem:s11], [sflag:$0x1], $0x80, s29, s15, $0xb8;
	[tilespmem:$0xA800] =	vst v63  }
0x3b: {  	s30 =	simm.s32 $0x8B80  }
0x3c: {  	[hbm4b:s19+s15] =	stream.indirect.scatter [tilespmem:s11], [sflag:$0x1], $0x80, s30, s15, $0xb8;
	[tilespmem:$0xA800] =	vst v63  }
0x3d: {  	_ =	swait.ge [sflag:s14], $0x3200  }
0x3e: {  	[sflag:s14] =	ssyncset.done $0x0  }
0x3f: {  	[sflag:s14] =	ssyncadd.s32 $0xFFFFCE00  }
0x40: {  	_ =	swait.ge [sflag:s14], $0x3200  }
0x41: {  	[sflag:s14] =	ssyncset.done $0x0  }
0x42: {  	[sflag:s14] =	ssyncadd.s32 $0xFFFFCE00  }
0x43: {  	_ =	swait.ge [sflag:s14], $0x3200  }
0x44: {  	[sflag:s14] =	ssyncset.done $0x0  }
0x45: {  	[sflag:s14] =	ssyncadd.s32 $0xFFFFCE00  }
0x46: {  	_ =	swait.ge [sflag:s14], $0x3200  }
0x47: {  	[sflag:s14] =	ssyncset.done $0x0  }
0x48: {  	[sflag:s14] =	ssyncadd.s32 $0xFFFFCE00  }
0x49: {  	_ =	swait.ge [sflag:s14], $0x3200  }
0x4a: {  	[sflag:s14] =	ssyncset.done $0x0  }
0x4b: {  	[sflag:s14] =	ssyncadd.s32 $0xFFFFCE00  }
0x4c: {  	_ =	swait.ge [sflag:s14], $0x3200  }
0x4d: {  	[sflag:s14] =	ssyncset.done $0x0  }
0x4e: {  	[sflag:s14] =	ssyncadd.s32 $0xFFFFCE00  }
0x4f: {  	_ =	swait.ge [sflag:s14], $0x3200  }
0x50: {  	[sflag:s14] =	ssyncset.done $0x0  }
0x51: {  	[sflag:s14] =	ssyncadd.s32 $0xFFFFCE00  }
0x52: {  	_ =	swait.ge [sflag:s14], $0x3200  }
0x53: {  	[sflag:s14] =	ssyncset.done $0x0  }
0x54: {  	[sflag:s14] =	ssyncadd.s32 $0xFFFFCE00  }
0x55: {  	_ =	swait.ge [sflag:s14], $0x3200  }
0x56: {  	[sflag:s14] =	ssyncset.done $0x0  }
0x57: {  	[sflag:s14] =	ssyncadd.s32 $0xFFFFCE00  }
0x58: {  	_ =	swait.ge [sflag:s14], $0x3200  }
0x59: {  	[sflag:s14] =	ssyncset.done $0x0  }
0x5a: {  	[sflag:s14] =	ssyncadd.s32 $0xFFFFCE00  }
0x5b: {  	_ =	swait.ge [sflag:s14], $0x3200  }
0x5c: {  	[sflag:s14] =	ssyncset.done $0x0  }
0x5d: {  	[sflag:s14] =	ssyncadd.s32 $0xFFFFCE00  }
0x5e: {  	_ =	swait.ge [sflag:s14], $0x3200  }
0x5f: {  	[sflag:s14] =	ssyncset.done $0x0  }
0x60: {  	[sflag:s14] =	ssyncadd.s32 $0xFFFFCE00  }
0x61: {  	_ =	swait.ge [sflag:s14], $0x3200  }
0x62: {  	[sflag:s14] =	ssyncset.done $0x0  }
0x63: {  	[sflag:s14] =	ssyncadd.s32 $0xFFFFCE00  }
0x64: {  	_ =	swait.ge [sflag:s14], $0x3200  }
0x65: {  	[sflag:s14] =	ssyncset.done $0x0  }
0x66: {  	[sflag:s14] =	ssyncadd.s32 $0xFFFFCE00  }
0x67: {  	_ =	swait.ge [sflag:s14], $0x3200  }
0x68: {  	[sflag:s14] =	ssyncset.done $0x0  }
0x69: {  	s18 =	sadd.s32 $0x3200, s10;
	s31 =	sadd.s32 $0x3200, s9;
	[sflag:s14] =	ssyncadd.s32 $0xFFFFCE00  }
0x6a: {  	s22 =	simm.s32 $0x400;
	s23 =	simm.s32 $0x2000;
	_ =	swait.ge [sflag:s14], $0x3200  }
0x6b: {  	s17 =	sadd.s32 s31, s8;
	s19 =	sadd.s32 $0x3200, s31;
	[sflag:s14] =	ssyncset.done $0x0  }
.LBB2_2:
0x6c: {  	s24 =	sadd.s32 s19, s8  }
0x6d: {  	s21 =	sadd.s32 $0x6800, s22;
	[sflag:s14] =	ssyncadd.s32 $0xFFFFCE00;
	s20 =	smov.u32 s23  }
0x6e: {  	[hbm4b:s17+s15] =	stream.indirect.scatter [tilespmem:s2], [sflag:$0x1], $0x80, s21, s15, $0xb8;
	[tilespmem:$0xA800] =	vst v63  }
0x6f: {  	s25 =	sadd.s32 $0x8800, s22;
	s26 =	sadd.s32 s18, s8;
	s21 =	sadd.s32 $0x1000, s23  }
0x70: {  	[hbm4b:s26+s15] =	stream.indirect.scatter [tilespmem:s2], [sflag:$0x1], $0x80, s25, s15, $0xb8;
	[tilespmem:$0xA800] =	vst v63  }
0x71: {  	p0 =	sne.s32 s23, $0x7000;
	s23 =	sadd.s32 $0x6880, s22  }
0x72: {  	[hbm4b:s17+s15] =	stream.indirect.scatter [tilespmem:s11], [sflag:$0x1], $0x80, s23, s15, $0xb8;
	[tilespmem:$0xA800] =	vst v63  }
0x73: {  	s23 =	sadd.s32 $0x8880, s22  }
0x74: {  	[hbm4b:s26+s15] =	stream.indirect.scatter [tilespmem:s11], [sflag:$0x1], $0x80, s23, s15, $0xb8;
	[tilespmem:$0xA800] =	vst v63  }
0x75: {  	s25 =	sadd.s32 $0xC80, s17;
	s23 =	sadd.s32 $0x6900, s22  }
0x76: {  	[hbm4b:s25+s15] =	stream.indirect.scatter [tilespmem:s2], [sflag:$0x1], $0x80, s23, s15, $0xb8;
	[tilespmem:$0xA800] =	vst v63  }
0x77: {  	s28 =	sadd.s32 $0xC80, s26;
	s23 =	sadd.s32 $0x8900, s22  }
0x78: {  	[hbm4b:s28+s15] =	stream.indirect.scatter [tilespmem:s2], [sflag:$0x1], $0x80, s23, s15, $0xb8;
	[tilespmem:$0xA800] =	vst v63  }
0x79: {  	s23 =	sadd.s32 $0x6980, s22  }
0x7a: {  	[hbm4b:s25+s15] =	stream.indirect.scatter [tilespmem:s11], [sflag:$0x1], $0x80, s23, s15, $0xb8;
	[tilespmem:$0xA800] =	vst v63  }
0x7b: {  	s23 =	sadd.s32 $0x8980, s22  }
0x7c: {  	[hbm4b:s28+s15] =	stream.indirect.scatter [tilespmem:s11], [sflag:$0x1], $0x80, s23, s15, $0xb8;
	[tilespmem:$0xA800] =	vst v63  }
0x7d: {  	s25 =	sadd.s32 $0x1900, s17;
	s23 =	sadd.s32 $0x6A00, s22  }
0x7e: {  	[hbm4b:s25+s15] =	stream.indirect.scatter [tilespmem:s2], [sflag:$0x1], $0x80, s23, s15, $0xb8;
	[tilespmem:$0xA800] =	vst v63  }
0x7f: {  	s28 =	sadd.s32 $0x1900, s26;
	s23 =	sadd.s32 $0x8A00, s22  }
0x80: {  	[hbm4b:s28+s15] =	stream.indirect.scatter [tilespmem:s2], [sflag:$0x1], $0x80, s23, s15, $0xb8;
	[tilespmem:$0xA800] =	vst v63  }
0x81: {  	s23 =	sadd.s32 $0x6A80, s22  }
0x82: {  	[hbm4b:s25+s15] =	stream.indirect.scatter [tilespmem:s11], [sflag:$0x1], $0x80, s23, s15, $0xb8;
	[tilespmem:$0xA800] =	vst v63  }
0x83: {  	s23 =	sadd.s32 $0x8A80, s22  }
0x84: {  	[hbm4b:s28+s15] =	stream.indirect.scatter [tilespmem:s11], [sflag:$0x1], $0x80, s23, s15, $0xb8;
	[tilespmem:$0xA800] =	vst v63  }
0x85: {  	s25 =	sadd.s32 $0x2580, s17;
	s17 =	smov.u32 s24;
	s23 =	sadd.s32 $0x6B00, s22  }
0x86: {  	[hbm4b:s25+s15] =	stream.indirect.scatter [tilespmem:s2], [sflag:$0x1], $0x80, s23, s15, $0xb8;
	[tilespmem:$0xA800] =	vst v63  }
0x87: {  	s24 =	sadd.s32 $0x2580, s26;
	s23 =	sadd.s32 $0x8B00, s22  }
0x88: {  	[hbm4b:s24+s15] =	stream.indirect.scatter [tilespmem:s2], [sflag:$0x1], $0x80, s23, s15, $0xb8;
	[tilespmem:$0xA800] =	vst v63  }
0x89: {  	s23 =	sadd.s32 $0x6B80, s22  }
0x8a: {  	[hbm4b:s25+s15] =	stream.indirect.scatter [tilespmem:s11], [sflag:$0x1], $0x80, s23, s15, $0xb8;
	[tilespmem:$0xA800] =	vst v63  }
0x8b: {  	s22 =	sadd.s32 $0x8B80, s22  }
0x8c: {  	[hbm4b:s24+s15] =	stream.indirect.scatter [tilespmem:s11], [sflag:$0x1], $0x80, s22, s15, $0xb8;
	[tilespmem:$0xA800] =	vst v63  }
0x8d: {  	_ =	swait.ge [sflag:s14], $0x3200  }
0x8e: {  	[sflag:s14] =	ssyncset.done $0x0  }
0x8f: {  	[sflag:s14] =	ssyncadd.s32 $0xFFFFCE00  }
0x90: {  	_ =	swait.ge [sflag:s14], $0x3200  }
0x91: {  	[sflag:s14] =	ssyncset.done $0x0  }
0x92: {  	[sflag:s14] =	ssyncadd.s32 $0xFFFFCE00  }
0x93: {  	_ =	swait.ge [sflag:s14], $0x3200  }
0x94: {  	[sflag:s14] =	ssyncset.done $0x0  }
0x95: {  	[sflag:s14] =	ssyncadd.s32 $0xFFFFCE00  }
0x96: {  	_ =	swait.ge [sflag:s14], $0x3200  }
0x97: {  	[sflag:s14] =	ssyncset.done $0x0  }
0x98: {  	[sflag:s14] =	ssyncadd.s32 $0xFFFFCE00  }
0x99: {  	_ =	swait.ge [sflag:s14], $0x3200  }
0x9a: {  	[sflag:s14] =	ssyncset.done $0x0  }
0x9b: {  	[sflag:s14] =	ssyncadd.s32 $0xFFFFCE00  }
0x9c: {  	_ =	swait.ge [sflag:s14], $0x3200  }
0x9d: {  	[sflag:s14] =	ssyncset.done $0x0  }
0x9e: {  	[sflag:s14] =	ssyncadd.s32 $0xFFFFCE00  }
0x9f: {  	_ =	swait.ge [sflag:s14], $0x3200  }
0xa0: {  	[sflag:s14] =	ssyncset.done $0x0  }
0xa1: {  	[sflag:s14] =	ssyncadd.s32 $0xFFFFCE00  }
0xa2: {  	_ =	swait.ge [sflag:s14], $0x3200  }
0xa3: {  	[sflag:s14] =	ssyncset.done $0x0  }
0xa4: {  	[sflag:s14] =	ssyncadd.s32 $0xFFFFCE00  }
0xa5: {  	_ =	swait.ge [sflag:s14], $0x3200  }
0xa6: {  	[sflag:s14] =	ssyncset.done $0x0  }
0xa7: {  	[sflag:s14] =	ssyncadd.s32 $0xFFFFCE00  }
0xa8: {  	_ =	swait.ge [sflag:s14], $0x3200  }
0xa9: {  	[sflag:s14] =	ssyncset.done $0x0  }
0xaa: {  	[sflag:s14] =	ssyncadd.s32 $0xFFFFCE00  }
0xab: {  	_ =	swait.ge [sflag:s14], $0x3200  }
0xac: {  	[sflag:s14] =	ssyncset.done $0x0  }
0xad: {  	[sflag:s14] =	ssyncadd.s32 $0xFFFFCE00  }
0xae: {  	_ =	swait.ge [sflag:s14], $0x3200  }
0xaf: {  	[sflag:s14] =	ssyncset.done $0x0  }
0xb0: {  	[sflag:s14] =	ssyncadd.s32 $0xFFFFCE00  }
0xb1: {  	_ =	swait.ge [sflag:s14], $0x3200  }
0xb2: {  	[sflag:s14] =	ssyncset.done $0x0  }
0xb3: {  	[sflag:s14] =	ssyncadd.s32 $0xFFFFCE00  }
0xb4: {  	_ =	swait.ge [sflag:s14], $0x3200  }
0xb5: {  	[sflag:s14] =	ssyncset.done $0x0  }
0xb6: {  	[sflag:s14] =	ssyncadd.s32 $0xFFFFCE00  }
.Ltmp0:
0xb7: {  	_ =	swait.ge [sflag:s14], $0x3200;
	(pc) =	sbr.rel @p0 .LBB2_2-.Ltmp0, $4  }
0xb8: {  	[sflag:s14] =	ssyncset.done $0x0  }
0xb9: {  	[sflag:s14] =	ssyncadd.s32 $0xFFFFCE00  }
0xba: {  	s18 =	sadd.s32 $0x3200, s18;
	s19 =	sadd.s32 $0x3200, s19;
	_ =	swait.ge [sflag:s14], $0x3200  }
0xbb: {  	s23 =	smov.u32 s21;
	s22 =	sshra.s32 s20, $0x2;
	[sflag:s14] =	ssyncset.done $0x0  }
0xbc: {  	s19 =	sadd.s32 $0x6800, s22;
	[sflag:s14] =	ssyncadd.s32 $0xFFFFCE00  }
0xbd: {  	[hbm4b:s17+s15] =	stream.indirect.scatter [tilespmem:s2], [sflag:$0x1], $0x80, s19, s15, $0xb8;
	[tilespmem:$0xA800] =	vst v63  }
0xbe: {  	s21 =	sadd.s32 $0x8800, s22;
	s18 =	sadd.s32 s18, s8  }
0xbf: {  	[hbm4b:s18+s15] =	stream.indirect.scatter [tilespmem:s2], [sflag:$0x1], $0x80, s21, s15, $0xb8;
	[tilespmem:$0xA800] =	vst v63  }
0xc0: {  	s23 =	sadd.s32 $0x6880, s22  }
0xc1: {  	[hbm4b:s17+s15] =	stream.indirect.scatter [tilespmem:s11], [sflag:$0x1], $0x80, s23, s15, $0xb8;
	[tilespmem:$0xA800] =	vst v63  }
0xc2: {  	s24 =	sadd.s32 $0x8880, s22  }
0xc3: {  	[hbm4b:s18+s15] =	stream.indirect.scatter [tilespmem:s11], [sflag:$0x1], $0x80, s24, s15, $0xb8;
	[tilespmem:$0xA800] =	vst v63  }
0xc4: {  	s25 =	sadd.s32 $0x6900, s22;
	s20 =	sadd.s32 $0xC80, s17  }
0xc5: {  	[hbm4b:s20+s15] =	stream.indirect.scatter [tilespmem:s2], [sflag:$0x1], $0x80, s25, s15, $0xb8;
	[tilespmem:$0xA800] =	vst v63  }
0xc6: {  	s26 =	sadd.s32 $0x8900, s22;
	s21 =	sadd.s32 $0xC80, s18  }
0xc7: {  	[hbm4b:s21+s15] =	stream.indirect.scatter [tilespmem:s2], [sflag:$0x1], $0x80, s26, s15, $0xb8;
	[tilespmem:$0xA800] =	vst v63  }
0xc8: {  	s28 =	sadd.s32 $0x6980, s22  }
0xc9: {  	[hbm4b:s20+s15] =	stream.indirect.scatter [tilespmem:s11], [sflag:$0x1], $0x80, s28, s15, $0xb8;
	[tilespmem:$0xA800] =	vst v63  }
0xca: {  	s29 =	sadd.s32 $0x8980, s22  }
0xcb: {  	[hbm4b:s21+s15] =	stream.indirect.scatter [tilespmem:s11], [sflag:$0x1], $0x80, s29, s15, $0xb8;
	[tilespmem:$0xA800] =	vst v63  }
0xcc: {  	s30 =	sadd.s32 $0x6A00, s22;
	s31 =	sadd.s32 $0x1900, s17  }
0xcd: {  	[hbm4b:s31+s15] =	stream.indirect.scatter [tilespmem:s2], [sflag:$0x1], $0x80, s30, s15, $0xb8;
	[tilespmem:$0xA800] =	vst v63  }
0xce: {  	s23 =	sadd.s32 $0x1900, s18;
	s21 =	sadd.s32 $0x8A00, s22  }
0xcf: {  	[hbm4b:s23+s15] =	stream.indirect.scatter [tilespmem:s2], [sflag:$0x1], $0x80, s21, s15, $0xb8;
	[tilespmem:$0xA800] =	vst v63  }
0xd0: {  	s24 =	sadd.s32 $0x6A80, s22  }
0xd1: {  	[hbm4b:s31+s15] =	stream.indirect.scatter [tilespmem:s11], [sflag:$0x1], $0x80, s24, s15, $0xb8;
	[tilespmem:$0xA800] =	vst v63  }
0xd2: {  	s25 =	sadd.s32 $0x8A80, s22  }
0xd3: {  	[hbm4b:s23+s15] =	stream.indirect.scatter [tilespmem:s11], [sflag:$0x1], $0x80, s25, s15, $0xb8;
	[tilespmem:$0xA800] =	vst v63  }
0xd4: {  	s26 =	sadd.s32 $0x6B00, s22;
	s28 =	sadd.s32 $0x2580, s17  }
0xd5: {  	[hbm4b:s28+s15] =	stream.indirect.scatter [tilespmem:s2], [sflag:$0x1], $0x80, s26, s15, $0xb8;
	[tilespmem:$0xA800] =	vst v63  }
0xd6: {  	s18 =	sadd.s32 $0x2580, s18;
	s29 =	sadd.s32 $0x8B00, s22  }
0xd7: {  	[hbm4b:s18+s15] =	stream.indirect.scatter [tilespmem:s2], [sflag:$0x1], $0x80, s29, s15, $0xb8;
	[tilespmem:$0xA800] =	vst v63  }
0xd8: {  	s30 =	sadd.s32 $0x6B80, s22  }
0xd9: {  	[hbm4b:s28+s15] =	stream.indirect.scatter [tilespmem:s11], [sflag:$0x1], $0x80, s30, s15, $0xb8;
	[tilespmem:$0xA800] =	vst v63  }
0xda: {  	s31 =	sadd.s32 $0x8B80, s22  }
0xdb: {  	[hbm4b:s18+s15] =	stream.indirect.scatter [tilespmem:s11], [sflag:$0x1], $0x80, s31, s15, $0xb8;
	[tilespmem:$0xA800] =	vst v63  }
0xdc: {  	_ =	swait.ge [sflag:s14], $0x3200  }
0xdd: {  	[sflag:s14] =	ssyncset.done $0x0  }
0xde: {  	[sflag:s14] =	ssyncadd.s32 $0xFFFFCE00  }
0xdf: {  	_ =	swait.ge [sflag:s14], $0x3200  }
0xe0: {  	[sflag:s14] =	ssyncset.done $0x0  }
0xe1: {  	[sflag:s14] =	ssyncadd.s32 $0xFFFFCE00  }
0xe2: {  	_ =	swait.ge [sflag:s14], $0x3200  }
0xe3: {  	[sflag:s14] =	ssyncset.done $0x0  }
0xe4: {  	[sflag:s14] =	ssyncadd.s32 $0xFFFFCE00  }
0xe5: {  	_ =	swait.ge [sflag:s14], $0x3200  }
0xe6: {  	[sflag:s14] =	ssyncset.done $0x0  }
0xe7: {  	[sflag:s14] =	ssyncadd.s32 $0xFFFFCE00  }
0xe8: {  	_ =	swait.ge [sflag:s14], $0x3200  }
0xe9: {  	[sflag:s14] =	ssyncset.done $0x0  }
0xea: {  	[sflag:s14] =	ssyncadd.s32 $0xFFFFCE00  }
0xeb: {  	_ =	swait.ge [sflag:s14], $0x3200  }
0xec: {  	[sflag:s14] =	ssyncset.done $0x0  }
0xed: {  	[sflag:s14] =	ssyncadd.s32 $0xFFFFCE00  }
0xee: {  	_ =	swait.ge [sflag:s14], $0x3200  }
0xef: {  	[sflag:s14] =	ssyncset.done $0x0  }
0xf0: {  	[sflag:s14] =	ssyncadd.s32 $0xFFFFCE00  }
0xf1: {  	_ =	swait.ge [sflag:s14], $0x3200  }
0xf2: {  	[sflag:s14] =	ssyncset.done $0x0  }
0xf3: {  	[sflag:s14] =	ssyncadd.s32 $0xFFFFCE00  }
0xf4: {  	_ =	swait.ge [sflag:s14], $0x3200  }
0xf5: {  	[sflag:s14] =	ssyncset.done $0x0  }
0xf6: {  	[sflag:s14] =	ssyncadd.s32 $0xFFFFCE00  }
0xf7: {  	_ =	swait.ge [sflag:s14], $0x3200  }
0xf8: {  	[sflag:s14] =	ssyncset.done $0x0  }
0xf9: {  	[sflag:s14] =	ssyncadd.s32 $0xFFFFCE00  }
0xfa: {  	_ =	swait.ge [sflag:s14], $0x3200  }
0xfb: {  	[sflag:s14] =	ssyncset.done $0x0  }
0xfc: {  	[sflag:s14] =	ssyncadd.s32 $0xFFFFCE00  }
0xfd: {  	_ =	swait.ge [sflag:s14], $0x3200  }
0xfe: {  	[sflag:s14] =	ssyncset.done $0x0  }
0xff: {  	[sflag:s14] =	ssyncadd.s32 $0xFFFFCE00  }
0x100: {  	_ =	swait.ge [sflag:s14], $0x3200  }
0x101: {  	[sflag:s14] =	ssyncset.done $0x0  }
0x102: {  	[sflag:s14] =	ssyncadd.s32 $0xFFFFCE00  }
0x103: {  	_ =	swait.ge [sflag:s14], $0x3200  }
0x104: {  	[sflag:s14] =	ssyncset.done $0x0  }
0x105: {  	s16 =	sadd.s32 $0x1, s16;
	[sflag:s14] =	ssyncadd.s32 $0xFFFFCE00  }
0x106: {  	p0 =	sne.s32 s16, s6;
	_ =	swait.ge [sflag:s14], $0x3200  }
.Ltmp1:
0x107: {  	[sflag:s14] =	ssyncset.done $0x0;
	(pc) =	sbr.rel @p0 .LBB2_1-.Ltmp1, $4  }
0x108: {  	[sflag:s14] =	ssyncadd.s32 $0xFFFFCE00  }
0x109: {  	_ =	swait.ge [sflag:s14], $0x3200  }
0x10a: {  	[sflag:s14] =	ssyncset.done $0x0  }
0x10b: {  	[sflag:s14] =	ssyncadd.s32 $0xFFFFCE00  }
0x10c: {  	_ =	sfence.sel $0x180000  }
0x10d: {  	[bflag:$0x0] =	sbarrier.arrive $0xFFFF  }
0x10e: {  	p0 =	sne.s32 s1, $0x0;
	_ =	strace $0x90000047  }
0x10f: {  	s0 =	sadd.s32 @!p0 $0x100000, s0;
	[bflag:$0x2] =	sbarrier.arrive $0xFFFF  }
0x110: {  	[sflag:s0] =	ssyncadd.tile.s32 @!p0 $0x1;
	_ =	shalt  }
.Lfunc_end2:
_tile_overlayer_lowered:
.L_overlay_start_2:
0x111: {  	(tag) =	ssettag $0x2  }
0x112: {  	s0 =	rddreg [dreg:$0x0];
	s2 =	stileid.u32  }
0x113: {  	s1 =	rddreg [dreg:$0x1];
	p0 =	sne.s32 s2, $0x0  }
0x114: {  	s3 =	rddreg [dreg:$0x2];
	[bflag:$0x3] =	sbarrier.arrive $0xFFFF;
	s2 =	simm.s32 @!p0 $0x1C02  }
0x115: {  	[timem:s3], [sflag:s2] =	dma.local @!p0 [hbm:s0], s1  }
0x116: {  	s0 =	simm.s32 @!p0 $0x2  }
0x117: {  	_ =	swait.ge @!p0 [sflag:s0], s1  }
0x118: {  	s1 =	ssub.s32 @!p0 $0x0, s1;
	[sflag:s0] =	ssyncset.done @!p0 $0x0  }
0x119: {  	[sflag:s0] =	ssyncadd.s32 @!p0 s1  }
0x11a: {  	[bflag:$0x3] =	sbarrier.arrive $0xFFFF  }
0x11b: {  	_ =	shalt  }

</sc_bundles>
